<compile_context>
chip_gen: v7x
topology: tpu7x:2x2x1
jax: 0.10.2.dev20260603
libtpu: 0.0.44.dev20260713+nightly
codegen_flags: <defaults>
</compile_context>

<pallas_src>
import numpy as np
import jax
import jax.numpy as jnp
from jax import lax
from jax.experimental import pallas as pl
from jax.experimental.pallas import tpu as pltpu
from jax.experimental.pallas import tpu_sc as plsc

_PRIMES = (2654435761, 2246822519, 3266489917, 2028178513,
           1220703125, 1610612741, 805306457, 402653189)
_M = 2000000
_R32 = 967296
_R24 = 777216
_B, _T, _E = 1024, 200, 2
_TP = 224
_TK = 208
_NW = 32
_RPW = _B // _NW
_PPW = _RPW * _TK
_VPR = _TK // 16
_GC = 104
_NG = _PPW // _GC
_ORW = _TK * 8
_OCW = _T * 8

_Mi = np.int32(_M)


def _loop(n, body):
    def _step(i, _):
        body(i)
        return i + np.int32(1), None

    lax.scan(_step, np.int32(0), None, length=n)


def _round_bf16(v):
    b = lax.bitcast_convert_type(v, jnp.int32)
    r = b + np.int32(0x7FFF) + ((b >> np.int32(16)) & np.int32(1))
    return lax.bitcast_convert_type(r & np.int32(-65536), jnp.float32)


def _mod_buckets(x):
    q = (x.astype(jnp.float32) * jnp.float32(1.0 / _M)).astype(jnp.int32)
    r = x - q * _Mi
    r = jnp.where(r < 0, r + _Mi, r)
    r = jnp.where(r >= _Mi, r - _Mi, r)
    return r


def _digits_mod(l0, l1, l2):
    x = (l2 * np.int32(_R32) + (l1 >> np.int32(8)) * np.int32(_R24)
         + (l1 & np.int32(255)) * np.int32(65536) + l0)
    return _mod_buckets(x)


def _body(tok_hbm, w00, w01, w10, w11, w20, w21, w30, w31, cw_hbm, out_hbm,
          tok_v, key0, key1, key2, key3, dsta, dstb, cw_v, out_v, sem):
    wid = lax.axis_index("s") * np.int32(2) + lax.axis_index("c")
    pltpu.sync_copy(tok_hbm.at[pl.ds(wid * np.int32(_RPW * _TP), _RPW * _TP)],
                    tok_v)
    pltpu.sync_copy(cw_hbm, cw_v)

    def round_cw(i):
        o = i * np.int32(16)
        cw_v[pl.ds(o, 16)] = _round_bf16(cw_v[pl.ds(o, 16)])
    _loop(32, round_cw)

    iota = lax.iota(jnp.int32, 16)
    zero16 = jnp.zeros((16,), jnp.int32)

    def fire2(kref, c0, c1, dst, o):
        pltpu.async_copy(c0.at[kref.at[pl.ds(o, _GC)]],
                         dst.at[pl.ds(o, _GC)], sem)
        pltpu.async_copy(c1.at[kref.at[pl.ds(o, _GC)]],
                         dst.at[pl.ds(np.int32(_PPW) + o, _GC)], sem)

    def drain2(kref, c0, c1, dst, o):
        pltpu.make_async_copy(c0.at[kref.at[pl.ds(o, _GC)]],
                              dst.at[pl.ds(o, _GC)], sem).wait()
        pltpu.make_async_copy(c1.at[kref.at[pl.ds(o, _GC)]],
                              dst.at[pl.ds(np.int32(_PPW) + o, _GC)],
                              sem).wait()

    def hash_row(r):
        def hash_vec(jv):
            p0 = r * np.int32(_TK) + jv * np.int32(16)
            tbase = r * np.int32(_TP) + jv * np.int32(16) + np.int32(8)
            l0, l1, l2 = zero16, zero16, zero16
            for i in range(8):
                p = _PRIMES[i]
                t = tok_v[pl.ds(tbase - np.int32(i + 1), 16)]
                a = t * np.int32(p >> 16)
                b = t * np.int32(p & 0xFFFF)
                l0 = l0 ^ (b & np.int32(0xFFFF))
                m = (b >> np.int32(16)) + (a & np.int32(0xFFFF))
                l1 = l1 ^ (m & np.int32(0xFFFF))
                l2 = l2 ^ ((a >> np.int32(16)) + (m >> np.int32(16)))
                if i == 0:
                    key0[pl.ds(p0, 16)] = _digits_mod(l0, l1, l2)
                elif i == 1:
                    key1[pl.ds(p0, 16)] = _digits_mod(l0, l1, l2)
                elif i == 3:
                    key2[pl.ds(p0, 16)] = _digits_mod(l0, l1, l2)
                elif i == 7:
                    key3[pl.ds(p0, 16)] = _digits_mod(l0, l1, l2)
        _loop(_VPR, hash_vec)
        for half in (0, 1):
            o = r * np.int32(_TK) + np.int32(half * _GC)
            fire2(key0, w00, w01, dsta, o)
            fire2(key1, w10, w11, dstb, o)
    _loop(_RPW, hash_row)

    def drain_short(g):
        o = g * np.int32(_GC)
        drain2(key0, w00, w01, dsta, o)
        drain2(key1, w10, w11, dstb, o)
    _loop(_NG, drain_short)

    def cond_row(r):
        def cond_vec(jv):
            p0 = r * np.int32(_TK) + jv * np.int32(16)
            posv = p0 + iota
            e = []
            for dst in (dsta, dstb):
                for c in (0, 1):
                    e.append(plsc.load_gather(
                        dst, [posv + np.int32(c * _PPW)]))
            eb = [_round_bf16(v) for v in e]
            ck0, ck1 = zero16, zero16
            for j in range(8):
                lg = (eb[0] * cw_v[pl.ds(4 * j * 16, 16)]
                      + eb[1] * cw_v[pl.ds((4 * j + 1) * 16, 16)]
                      + eb[2] * cw_v[pl.ds((4 * j + 2) * 16, 16)]
                      + eb[3] * cw_v[pl.ds((4 * j + 3) * 16, 16)])
                sb = (lg > jnp.float32(0.0)).astype(jnp.int32)
                ck0 = ck0 ^ (sb * np.int32(_PRIMES[j] & 0xFFFF))
                ck1 = ck1 ^ (sb * np.int32(_PRIMES[j] >> 16))
            for key in (key2, key3):
                k = key[pl.ds(p0, 16)]
                x0 = (k & np.int32(0xFFFF)) ^ ck0
                x1 = (k >> np.int32(16)) ^ ck1
                x = ((x1 >> np.int32(8)) * np.int32(_R24)
                     + (x1 & np.int32(255)) * np.int32(65536) + x0)
                key[pl.ds(p0, 16)] = _mod_buckets(x)
            obase = posv * np.int32(8)
            for c in (0, 1):
                plsc.store_scatter(out_v, [obase + np.int32(c)], e[c])
                plsc.store_scatter(out_v, [obase + np.int32(2 + c)], e[2 + c])
        _loop(_VPR, cond_vec)
        for half in (0, 1):
            o = r * np.int32(_TK) + np.int32(half * _GC)
            fire2(key2, w20, w21, dsta, o)
            fire2(key3, w30, w31, dstb, o)
    _loop(_RPW, cond_row)

    def drain_long(g):
        o = g * np.int32(_GC)
        drain2(key2, w20, w21, dsta, o)
        drain2(key3, w30, w31, dstb, o)
    _loop(_NG, drain_long)

    def emit_row(r):
        def emit_vec(jv):
            p0 = r * np.int32(_TK) + jv * np.int32(16)
            posv = p0 + iota
            obase = posv * np.int32(8)
            for base, dst in ((4, dsta), (6, dstb)):
                for c in (0, 1):
                    v = plsc.load_gather(dst, [posv + np.int32(c * _PPW)])
                    plsc.store_scatter(out_v, [obase + np.int32(base + c)], v)
        _loop(_VPR, emit_vec)
        pltpu.async_copy(
            out_v.at[pl.ds(r * np.int32(_ORW), _OCW)],
            out_hbm.at[pl.ds((wid * np.int32(_RPW) + r) * np.int32(_OCW),
                             _OCW)], sem)
    _loop(_RPW, emit_row)

    def out_drain(r):
        pltpu.make_async_copy(
            out_v.at[pl.ds(r * np.int32(_ORW), _OCW)],
            out_hbm.at[pl.ds((wid * np.int32(_RPW) + r) * np.int32(_OCW),
                             _OCW)], sem).wait()
    _loop(_RPW, out_drain)


@jax.jit
def _pyramid_sc(tok_flat, w00, w01, w10, w11, w20, w21, w30, w31, cwb):
    mesh = plsc.VectorSubcoreMesh(core_axis_name="c", subcore_axis_name="s")
    call = pl.kernel(
        _body,
        out_type=jax.ShapeDtypeStruct((_B * _T * 8,), jnp.float32),
        mesh=mesh,
        compiler_params=pltpu.CompilerParams(needs_layout_passes=False),
        scratch_types=[
            pltpu.VMEM((_RPW * _TP,), jnp.int32),
            pltpu.VMEM((_PPW,), jnp.int32),
            pltpu.VMEM((_PPW,), jnp.int32),
            pltpu.VMEM((_PPW,), jnp.int32),
            pltpu.VMEM((_PPW,), jnp.int32),
            pltpu.VMEM((2 * _PPW,), jnp.float32),
            pltpu.VMEM((2 * _PPW,), jnp.float32),
            pltpu.VMEM((512,), jnp.float32),
            pltpu.VMEM((_RPW * _TK * 8,), jnp.float32),
            pltpu.SemaphoreType.DMA,
        ],
    )
    return call(tok_flat, w00, w01, w10, w11, w20, w21, w30, w31, cwb)


def kernel(tokens, W0, W1, W2, W3, cond_W):
    zi = lax.optimization_barrier(jnp.zeros((1,), jnp.int32))
    tok = tokens.astype(jnp.int32)
    tok_flat = jnp.pad(tok, ((0, 0), (8, _TP - _T - 8))).reshape(-1) + zi
    cwb = jnp.repeat(cond_W.astype(jnp.float32).reshape(32), 16)
    cols = []
    for W in (W0, W1, W2, W3):
        cols.append(W[:, 0])
        cols.append(W[:, 1])
    return _pyramid_sc(tok_flat, *cols, cwb).reshape(_B, _T, 8)

# --- scband reference (transcript-rebuilt; emitter-appended) ---
"""Pipeline reference for scband-million-bucket-pyramid-87016037416974 (READ-ONLY COPY).

The authoritative reference and input builder live on the scoring server;
editing this copy changes nothing except your own understanding.
"""

import jax, jax.numpy as jnp
import numpy as np
jax.config.update("jax_enable_x64", True)

HASH_PRIMES = [2654435761, 2246822519, 3266489917, 2028178513, 1220703125, 1610612741, 805306457, 402653189]
SCALE_WINDOWS = [1, 2, 4, 8]
NS = 4
BUCKETS = 2000000
E = 2
BOUNDARY = 2
SIGN_BITS = 8
BATCH = 1024
T = 200
VOCAB = 1024


def _hash_scale(tokens, s):
    Bd, Tn = tokens.shape
    w = SCALE_WINDOWS[s]
    h = jnp.zeros((Bd, Tn), dtype=jnp.int64)
    for i in range(w):
        off = i + 1
        if off >= Tn:
            continue
        shifted = jnp.zeros_like(tokens).at[:, off:].set(tokens[:, :-off])
        h = h ^ (shifted * jnp.int64(HASH_PRIMES[i]))
    return h % BUCKETS


def setup_inputs(seed: int = 0) -> dict:
    key = jax.random.key(seed)
    ks = jax.random.split(key, 6)
    tokens = jax.random.randint(ks[0], (BATCH, T), 0, VOCAB, dtype=jnp.int64)
    out = {"tokens": tokens}
    for s in range(NS):
        out[f"W{s}"] = (jax.random.normal(ks[1 + s], (BUCKETS, E), dtype=jnp.float32) * 0.02)
    out["cond_W"] = jax.random.normal(jax.random.fold_in(key, 99), (SIGN_BITS, BOUNDARY * E), dtype=jnp.float32) * 0.1
    return out


def reference(tokens, W0, W1, W2, W3, cond_W):
    Ws = [W0, W1, W2, W3]
    keys = [_hash_scale(tokens, s) for s in range(NS)]
    short_embeds = [jnp.take(Ws[s], keys[s], axis=0) for s in range(BOUNDARY)]
    short_cat = jnp.concatenate(short_embeds, axis=-1)
    cond_logits = short_cat @ cond_W.T
    sign_bits = (cond_logits > 0).astype(jnp.int64)
    cond_key = jnp.zeros(tokens.shape, dtype=jnp.int64)
    for i in range(SIGN_BITS):
        cond_key = cond_key ^ (sign_bits[:, :, i] * jnp.int64(HASH_PRIMES[i]))
    long_embeds = []
    for s in range(BOUNDARY, NS):
        k2 = (keys[s] ^ cond_key) % BUCKETS
        long_embeds.append(jnp.take(Ws[s], k2, axis=0))
    return jnp.concatenate(short_embeds + long_embeds, axis=-1)

if __name__ == "__main__":
    import jax
    _d = setup_inputs()
    print(jax.jit(kernel)(*tuple(_d.values())))

</pallas_src>

<mosaic_0001>
#map = affine_map<(d0, d1) -> (0)>
module attributes {stable_mosaic.version = 14 : i64} {
  func.func @_body(%arg0: i32, %arg1: i32, %arg2: memref<229376xi32, #tpu.memory_space<hbm>>, %arg3: memref<2000000xf32, #tpu.memory_space<hbm>>, %arg4: memref<2000000xf32, #tpu.memory_space<hbm>>, %arg5: memref<2000000xf32, #tpu.memory_space<hbm>>, %arg6: memref<2000000xf32, #tpu.memory_space<hbm>>, %arg7: memref<2000000xf32, #tpu.memory_space<hbm>>, %arg8: memref<2000000xf32, #tpu.memory_space<hbm>>, %arg9: memref<2000000xf32, #tpu.memory_space<hbm>>, %arg10: memref<2000000xf32, #tpu.memory_space<hbm>>, %arg11: memref<512xf32, #tpu.memory_space<hbm>>, %arg12: memref<1638400xf32, #tpu.memory_space<hbm>>, %arg13: memref<7168xi32, #tpu.memory_space<vmem>>, %arg14: memref<6656xi32, #tpu.memory_space<vmem>>, %arg15: memref<6656xi32, #tpu.memory_space<vmem>>, %arg16: memref<6656xi32, #tpu.memory_space<vmem>>, %arg17: memref<6656xi32, #tpu.memory_space<vmem>>, %arg18: memref<13312xf32, #tpu.memory_space<vmem>>, %arg19: memref<13312xf32, #tpu.memory_space<vmem>>, %arg20: memref<512xf32, #tpu.memory_space<vmem>>, %arg21: memref<53248xf32, #tpu.memory_space<vmem>>, %arg22: memref<!tpu.dma_semaphore, #tpu.memory_space<semaphore_mem>>) attributes {dimension_semantics = [#tpu.dimension_semantics<core_parallel>, #tpu.dimension_semantics<subcore_parallel>], iteration_bounds = array<i64: 2, 16>, scalar_prefetch = 0 : i64, scratch_operands = 10 : i64, tpu.core_type = #tpu.core_type<sc_vector_subcore>, window_params = [{transform_indices = #map}, {transform_indices = #map}, {transform_indices = #map}, {transform_indices = #map}, {transform_indices = #map}, {transform_indices = #map}, {transform_indices = #map}, {transform_indices = #map}, {transform_indices = #map}, {transform_indices = #map}, {transform_indices = #map}]} {
    %mul3A = arith.constant 2 : i32
    %mul3A_0 = arith.muli %arg1, %mul3A : i32
    %add3A = arith.addi %mul3A_0, %arg0 : i32
    %mul3A_1 = arith.constant 7168 : i32
    %mul3A_2 = arith.muli %add3A, %mul3A_1 : i32
    "tpu.region"() ({
      %run_scoped3A = tpu.sem_alloc : memref<!tpu.dma_semaphore, #tpu.memory_space<semaphore_mem>>
      %dma_start3A = tpu.memref_slice %arg2[%mul3A_2] : memref<229376xi32, #tpu.memory_space<hbm>> -> memref<7168xi32, #tpu.memory_space<hbm>>
      %dma_start3A_38 = tpu.memref_slice %arg2[%mul3A_2] : memref<229376xi32, #tpu.memory_space<hbm>> -> memref<7168xi32, #tpu.memory_space<hbm>>
      tpu.enqueue_dma source(%dma_start3A_38 : memref<7168xi32, #tpu.memory_space<hbm>>) target(%arg13 : memref<7168xi32, #tpu.memory_space<vmem>>) target_semaphore(%run_scoped3A : memref<!tpu.dma_semaphore, #tpu.memory_space<semaphore_mem>>)
      %dma_wait3A = tpu.memref_slice %arg2[%mul3A_2] : memref<229376xi32, #tpu.memory_space<hbm>> -> memref<7168xi32, #tpu.memory_space<hbm>>
      %dma_wait3A_39 = tpu.memref_slice %arg2[%mul3A_2] : memref<229376xi32, #tpu.memory_space<hbm>> -> memref<7168xi32, #tpu.memory_space<hbm>>
      tpu.wait_dma2 semaphore(%run_scoped3A : memref<!tpu.dma_semaphore, #tpu.memory_space<semaphore_mem>>) src(%dma_wait3A_39 : memref<7168xi32, #tpu.memory_space<hbm>>) dst(%arg13 : memref<7168xi32, #tpu.memory_space<vmem>>)
      tpu.yield
    }) : () -> ()
    "tpu.region"() ({
      %run_scoped3A = tpu.sem_alloc : memref<!tpu.dma_semaphore, #tpu.memory_space<semaphore_mem>>
      tpu.enqueue_dma source(%arg11 : memref<512xf32, #tpu.memory_space<hbm>>) target(%arg20 : memref<512xf32, #tpu.memory_space<vmem>>) target_semaphore(%run_scoped3A : memref<!tpu.dma_semaphore, #tpu.memory_space<semaphore_mem>>)
      tpu.wait_dma2 semaphore(%run_scoped3A : memref<!tpu.dma_semaphore, #tpu.memory_space<semaphore_mem>>) src(%arg11 : memref<512xf32, #tpu.memory_space<hbm>>) dst(%arg20 : memref<512xf32, #tpu.memory_space<vmem>>)
      tpu.yield
    }) : () -> ()
    %scan3A = arith.constant 0 : i32
    %scan3A_3 = arith.constant 32 : i32
    %scan3A_4 = arith.addi %scan3A, %scan3A_3 : i32
    %scan3A_5 = arith.constant 1 : i32
    scf.for %scan3A_38 = %scan3A to %scan3A_4 step %scan3A_5  : i32 {
      %mul3A_39 = arith.constant 16 : i32
      %mul3A_40 = arith.muli %scan3A_38, %mul3A_39 : i32
      %get3A = arith.index_cast %mul3A_40 : i32 to index
      %get3A_41 = tpu.vector_load %arg20[%get3A] {strides = array<i32>} : memref<512xf32, #tpu.memory_space<vmem>>, vector<16xf32>,
      %bitcast_convert_type3A = tpu.bitcast %get3A_41 : vector<16xf32> -> vector<16xi32>
      %add3A_42 = arith.constant 32767 : i32
      %add3A_43 = vector.broadcast %add3A_42 : i32 to vector<16xi32>
      %add3A_44 = arith.addi %bitcast_convert_type3A, %add3A_43 : vector<16xi32>
      %shift_right_arithmetic3A = arith.constant 16 : i32
      %shift_right_arithmetic3A_45 = vector.broadcast %shift_right_arithmetic3A : i32 to vector<16xi32>
      %shift_right_arithmetic3A_46 = arith.shrsi %bitcast_convert_type3A, %shift_right_arithmetic3A_45 : vector<16xi32>
      %and3A = arith.constant 1 : i32
      %and3A_47 = vector.broadcast %and3A : i32 to vector<16xi32>
      %and3A_48 = arith.andi %shift_right_arithmetic3A_46, %and3A_47 : vector<16xi32>
      %add3A_49 = arith.addi %add3A_44, %and3A_48 : vector<16xi32>
      %and3A_50 = arith.constant -65536 : i32
      %and3A_51 = vector.broadcast %and3A_50 : i32 to vector<16xi32>
      %and3A_52 = arith.andi %add3A_49, %and3A_51 : vector<16xi32>
      %bitcast_convert_type3A_53 = tpu.bitcast %and3A_52 : vector<16xi32> -> vector<16xf32>
      %swap3A = arith.index_cast %mul3A_40 : i32 to index
      %swap3A_54 = tpu.vector_load %arg20[%swap3A] {strides = array<i32>} : memref<512xf32, #tpu.memory_space<vmem>>, vector<16xf32>,
      tpu.vector_store %arg20[%swap3A], %bitcast_convert_type3A_53 {strides = array<i32>} : memref<512xf32, #tpu.memory_space<vmem>>, vector<16xf32>,
    }
    %scan3A_6 = arith.constant 32 : i32
    %iota3A = tpu.iota {dimensions = array<i32: 0>} : vector<16xi32>
    %broadcast_in_dim3A = arith.constant 0 : i32
    %broadcast_in_dim3A_7 = vector.broadcast %broadcast_in_dim3A : i32 to vector<16xi32>
    %scan3A_8 = arith.constant 0 : i32
    %scan3A_9 = arith.constant 32 : i32
    %scan3A_10 = arith.addi %scan3A_8, %scan3A_9 : i32
    %scan3A_11 = arith.constant 1 : i32
    scf.for %scan3A_38 = %scan3A_8 to %scan3A_10 step %scan3A_11  : i32 {
      %scan3A_39 = arith.constant 0 : i32
      %scan3A_40 = arith.constant 13 : i32
      %scan3A_41 = arith.addi %scan3A_39, %scan3A_40 : i32
      %scan3A_42 = arith.constant 1 : i32
      scf.for %scan3A_91 = %scan3A_39 to %scan3A_41 step %scan3A_42  : i32 {
        %mul3A_92 = arith.constant 208 : i32
        %mul3A_93 = arith.muli %scan3A_38, %mul3A_92 : i32
        %mul3A_94 = arith.constant 16 : i32
        %mul3A_95 = arith.muli %scan3A_91, %mul3A_94 : i32
        %add3A_96 = arith.addi %mul3A_93, %mul3A_95 : i32
        %mul3A_97 = arith.constant 224 : i32
        %mul3A_98 = arith.muli %scan3A_38, %mul3A_97 : i32
        %mul3A_99 = arith.constant 16 : i32
        %mul3A_100 = arith.muli %scan3A_91, %mul3A_99 : i32
        %add3A_101 = arith.addi %mul3A_98, %mul3A_100 : i32
        %add3A_102 = arith.constant 8 : i32
        %add3A_103 = arith.addi %add3A_101, %add3A_102 : i32
        %sub3A = arith.constant 1 : i32
        %sub3A_104 = arith.subi %add3A_103, %sub3A : i32
        %get3A = arith.index_cast %sub3A_104 : i32 to index
        %get3A_105 = tpu.vector_load %arg13[%get3A] {strides = array<i32>} : memref<7168xi32, #tpu.memory_space<vmem>>, vector<16xi32>,
        %mul3A_106 = arith.constant 40503 : i32
        %mul3A_107 = vector.broadcast %mul3A_106 : i32 to vector<16xi32>
        %mul3A_108 = arith.muli %get3A_105, %mul3A_107 : vector<16xi32>
        %mul3A_109 = arith.constant 31153 : i32
        %mul3A_110 = vector.broadcast %mul3A_109 : i32 to vector<16xi32>
        %mul3A_111 = arith.muli %get3A_105, %mul3A_110 : vector<16xi32>
        %and3A = arith.constant 65535 : i32
        %and3A_112 = vector.broadcast %and3A : i32 to vector<16xi32>
        %and3A_113 = arith.andi %mul3A_111, %and3A_112 : vector<16xi32>
        %xor3A = arith.xori %broadcast_in_dim3A_7, %and3A_113 : vector<16xi32>
        %shift_right_arithmetic3A = arith.constant 16 : i32
        %shift_right_arithmetic3A_114 = vector.broadcast %shift_right_arithmetic3A : i32 to vector<16xi32>
        %shift_right_arithmetic3A_115 = arith.shrsi %mul3A_111, %shift_right_arithmetic3A_114 : vector<16xi32>
        %and3A_116 = arith.constant 65535 : i32
        %and3A_117 = vector.broadcast %and3A_116 : i32 to vector<16xi32>
        %and3A_118 = arith.andi %mul3A_108, %and3A_117 : vector<16xi32>
        %add3A_119 = arith.addi %shift_right_arithmetic3A_115, %and3A_118 : vector<16xi32>
        %and3A_120 = arith.constant 65535 : i32
        %and3A_121 = vector.broadcast %and3A_120 : i32 to vector<16xi32>
        %and3A_122 = arith.andi %add3A_119, %and3A_121 : vector<16xi32>
        %xor3A_123 = arith.xori %broadcast_in_dim3A_7, %and3A_122 : vector<16xi32>
        %shift_right_arithmetic3A_124 = arith.constant 16 : i32
        %shift_right_arithmetic3A_125 = vector.broadcast %shift_right_arithmetic3A_124 : i32 to vector<16xi32>
        %shift_right_arithmetic3A_126 = arith.shrsi %mul3A_108, %shift_right_arithmetic3A_125 : vector<16xi32>
        %shift_right_arithmetic3A_127 = arith.constant 16 : i32
        %shift_right_arithmetic3A_128 = vector.broadcast %shift_right_arithmetic3A_127 : i32 to vector<16xi32>
        %shift_right_arithmetic3A_129 = arith.shrsi %add3A_119, %shift_right_arithmetic3A_128 : vector<16xi32>
        %add3A_130 = arith.addi %shift_right_arithmetic3A_126, %shift_right_arithmetic3A_129 : vector<16xi32>
        %xor3A_131 = arith.xori %broadcast_in_dim3A_7, %add3A_130 : vector<16xi32>
        %mul3A_132 = arith.constant 967296 : i32
        %mul3A_133 = vector.broadcast %mul3A_132 : i32 to vector<16xi32>
        %mul3A_134 = arith.muli %xor3A_131, %mul3A_133 : vector<16xi32>
        %shift_right_arithmetic3A_135 = arith.constant 8 : i32
        %shift_right_arithmetic3A_136 = vector.broadcast %shift_right_arithmetic3A_135 : i32 to vector<16xi32>
        %shift_right_arithmetic3A_137 = arith.shrsi %xor3A_123, %shift_right_arithmetic3A_136 : vector<16xi32>
        %mul3A_138 = arith.constant 777216 : i32
        %mul3A_139 = vector.broadcast %mul3A_138 : i32 to vector<16xi32>
        %mul3A_140 = arith.muli %shift_right_arithmetic3A_137, %mul3A_139 : vector<16xi32>
        %add3A_141 = arith.addi %mul3A_134, %mul3A_140 : vector<16xi32>
        %and3A_142 = arith.constant 255 : i32
        %and3A_143 = vector.broadcast %and3A_142 : i32 to vector<16xi32>
        %and3A_144 = arith.andi %xor3A_123, %and3A_143 : vector<16xi32>
        %mul3A_145 = arith.constant 65536 : i32
        %mul3A_146 = vector.broadcast %mul3A_145 : i32 to vector<16xi32>
        %mul3A_147 = arith.muli %and3A_144, %mul3A_146 : vector<16xi32>
        %add3A_148 = arith.addi %add3A_141, %mul3A_147 : vector<16xi32>
        %add3A_149 = arith.addi %add3A_148, %xor3A : vector<16xi32>
        %convert_element_type3A = arith.sitofp %add3A_149 : vector<16xi32> to vector<16xf32>
        %mul3A_150 = arith.constant 5.000000e-07 : f32
        %mul3A_151 = vector.broadcast %mul3A_150 : f32 to vector<16xf32>
        %mul3A_152 = arith.mulf %convert_element_type3A, %mul3A_151 : vector<16xf32>
        %convert_element_type3A_153 = arith.fptosi %mul3A_152 : vector<16xf32> to vector<16xi32>
        %mul3A_154 = arith.constant 2000000 : i32
        %mul3A_155 = vector.broadcast %mul3A_154 : i32 to vector<16xi32>
        %mul3A_156 = arith.muli %convert_element_type3A_153, %mul3A_155 : vector<16xi32>
        %sub3A_157 = arith.subi %add3A_149, %mul3A_156 : vector<16xi32>
        %lt3A = arith.constant 0 : i32
        %lt3A_158 = vector.broadcast %lt3A : i32 to vector<16xi32>
        %lt3A_159 = arith.cmpi slt, %sub3A_157, %lt3A_158 : vector<16xi32>
        %add3A_160 = arith.constant 2000000 : i32
        %add3A_161 = vector.broadcast %add3A_160 : i32 to vector<16xi32>
        %add3A_162 = arith.addi %sub3A_157, %add3A_161 : vector<16xi32>
        %select_n3A = arith.select %lt3A_159, %add3A_162, %sub3A_157 : vector<16xi1>, vector<16xi32>
        %ge3A = arith.constant 2000000 : i32
        %ge3A_163 = vector.broadcast %ge3A : i32 to vector<16xi32>
        %ge3A_164 = arith.cmpi sge, %select_n3A, %ge3A_163 : vector<16xi32>
        %sub3A_165 = arith.constant 2000000 : i32
        %sub3A_166 = vector.broadcast %sub3A_165 : i32 to vector<16xi32>
        %sub3A_167 = arith.subi %select_n3A, %sub3A_166 : vector<16xi32>
        %select_n3A_168 = arith.select %ge3A_164, %sub3A_167, %select_n3A : vector<16xi1>, vector<16xi32>
        %swap3A = arith.index_cast %add3A_96 : i32 to index
        %swap3A_169 = tpu.vector_load %arg14[%swap3A] {strides = array<i32>} : memref<6656xi32, #tpu.memory_space<vmem>>, vector<16xi32>,
        tpu.vector_store %arg14[%swap3A], %select_n3A_168 {strides = array<i32>} : memref<6656xi32, #tpu.memory_space<vmem>>, vector<16xi32>,
        %sub3A_170 = arith.constant 2 : i32
        %sub3A_171 = arith.subi %add3A_103, %sub3A_170 : i32
        %get3A_172 = arith.index_cast %sub3A_171 : i32 to index
        %get3A_173 = tpu.vector_load %arg13[%get3A_172] {strides = array<i32>} : memref<7168xi32, #tpu.memory_space<vmem>>, vector<16xi32>,
        %mul3A_174 = arith.constant 34283 : i32
        %mul3A_175 = vector.broadcast %mul3A_174 : i32 to vector<16xi32>
        %mul3A_176 = arith.muli %get3A_173, %mul3A_175 : vector<16xi32>
        %mul3A_177 = arith.constant 51831 : i32
        %mul3A_178 = vector.broadcast %mul3A_177 : i32 to vector<16xi32>
        %mul3A_179 = arith.muli %get3A_173, %mul3A_178 : vector<16xi32>
        %and3A_180 = arith.constant 65535 : i32
        %and3A_181 = vector.broadcast %and3A_180 : i32 to vector<16xi32>
        %and3A_182 = arith.andi %mul3A_179, %and3A_181 : vector<16xi32>
        %xor3A_183 = arith.xori %xor3A, %and3A_182 : vector<16xi32>
        %shift_right_arithmetic3A_184 = arith.constant 16 : i32
        %shift_right_arithmetic3A_185 = vector.broadcast %shift_right_arithmetic3A_184 : i32 to vector<16xi32>
        %shift_right_arithmetic3A_186 = arith.shrsi %mul3A_179, %shift_right_arithmetic3A_185 : vector<16xi32>
        %and3A_187 = arith.constant 65535 : i32
        %and3A_188 = vector.broadcast %and3A_187 : i32 to vector<16xi32>
        %and3A_189 = arith.andi %mul3A_176, %and3A_188 : vector<16xi32>
        %add3A_190 = arith.addi %shift_right_arithmetic3A_186, %and3A_189 : vector<16xi32>
        %and3A_191 = arith.constant 65535 : i32
        %and3A_192 = vector.broadcast %and3A_191 : i32 to vector<16xi32>
        %and3A_193 = arith.andi %add3A_190, %and3A_192 : vector<16xi32>
        %xor3A_194 = arith.xori %xor3A_123, %and3A_193 : vector<16xi32>
        %shift_right_arithmetic3A_195 = arith.constant 16 : i32
        %shift_right_arithmetic3A_196 = vector.broadcast %shift_right_arithmetic3A_195 : i32 to vector<16xi32>
        %shift_right_arithmetic3A_197 = arith.shrsi %mul3A_176, %shift_right_arithmetic3A_196 : vector<16xi32>
        %shift_right_arithmetic3A_198 = arith.constant 16 : i32
        %shift_right_arithmetic3A_199 = vector.broadcast %shift_right_arithmetic3A_198 : i32 to vector<16xi32>
        %shift_right_arithmetic3A_200 = arith.shrsi %add3A_190, %shift_right_arithmetic3A_199 : vector<16xi32>
        %add3A_201 = arith.addi %shift_right_arithmetic3A_197, %shift_right_arithmetic3A_200 : vector<16xi32>
        %xor3A_202 = arith.xori %xor3A_131, %add3A_201 : vector<16xi32>
        %mul3A_203 = arith.constant 967296 : i32
        %mul3A_204 = vector.broadcast %mul3A_203 : i32 to vector<16xi32>
        %mul3A_205 = arith.muli %xor3A_202, %mul3A_204 : vector<16xi32>
        %shift_right_arithmetic3A_206 = arith.constant 8 : i32
        %shift_right_arithmetic3A_207 = vector.broadcast %shift_right_arithmetic3A_206 : i32 to vector<16xi32>
        %shift_right_arithmetic3A_208 = arith.shrsi %xor3A_194, %shift_right_arithmetic3A_207 : vector<16xi32>
        %mul3A_209 = arith.constant 777216 : i32
        %mul3A_210 = vector.broadcast %mul3A_209 : i32 to vector<16xi32>
        %mul3A_211 = arith.muli %shift_right_arithmetic3A_208, %mul3A_210 : vector<16xi32>
        %add3A_212 = arith.addi %mul3A_205, %mul3A_211 : vector<16xi32>
        %and3A_213 = arith.constant 255 : i32
        %and3A_214 = vector.broadcast %and3A_213 : i32 to vector<16xi32>
        %and3A_215 = arith.andi %xor3A_194, %and3A_214 : vector<16xi32>
        %mul3A_216 = arith.constant 65536 : i32
        %mul3A_217 = vector.broadcast %mul3A_216 : i32 to vector<16xi32>
        %mul3A_218 = arith.muli %and3A_215, %mul3A_217 : vector<16xi32>
        %add3A_219 = arith.addi %add3A_212, %mul3A_218 : vector<16xi32>
        %add3A_220 = arith.addi %add3A_219, %xor3A_183 : vector<16xi32>
        %convert_element_type3A_221 = arith.sitofp %add3A_220 : vector<16xi32> to vector<16xf32>
        %mul3A_222 = arith.constant 5.000000e-07 : f32
        %mul3A_223 = vector.broadcast %mul3A_222 : f32 to vector<16xf32>
        %mul3A_224 = arith.mulf %convert_element_type3A_221, %mul3A_223 : vector<16xf32>
        %convert_element_type3A_225 = arith.fptosi %mul3A_224 : vector<16xf32> to vector<16xi32>
        %mul3A_226 = arith.constant 2000000 : i32
        %mul3A_227 = vector.broadcast %mul3A_226 : i32 to vector<16xi32>
        %mul3A_228 = arith.muli %convert_element_type3A_225, %mul3A_227 : vector<16xi32>
        %sub3A_229 = arith.subi %add3A_220, %mul3A_228 : vector<16xi32>
        %lt3A_230 = arith.constant 0 : i32
        %lt3A_231 = vector.broadcast %lt3A_230 : i32 to vector<16xi32>
        %lt3A_232 = arith.cmpi slt, %sub3A_229, %lt3A_231 : vector<16xi32>
        %add3A_233 = arith.constant 2000000 : i32
        %add3A_234 = vector.broadcast %add3A_233 : i32 to vector<16xi32>
        %add3A_235 = arith.addi %sub3A_229, %add3A_234 : vector<16xi32>
        %select_n3A_236 = arith.select %lt3A_232, %add3A_235, %sub3A_229 : vector<16xi1>, vector<16xi32>
        %ge3A_237 = arith.constant 2000000 : i32
        %ge3A_238 = vector.broadcast %ge3A_237 : i32 to vector<16xi32>
        %ge3A_239 = arith.cmpi sge, %select_n3A_236, %ge3A_238 : vector<16xi32>
        %sub3A_240 = arith.constant 2000000 : i32
        %sub3A_241 = vector.broadcast %sub3A_240 : i32 to vector<16xi32>
        %sub3A_242 = arith.subi %select_n3A_236, %sub3A_241 : vector<16xi32>
        %select_n3A_243 = arith.select %ge3A_239, %sub3A_242, %select_n3A_236 : vector<16xi1>, vector<16xi32>
        %swap3A_244 = arith.index_cast %add3A_96 : i32 to index
        %swap3A_245 = tpu.vector_load %arg15[%swap3A_244] {strides = array<i32>} : memref<6656xi32, #tpu.memory_space<vmem>>, vector<16xi32>,
        tpu.vector_store %arg15[%swap3A_244], %select_n3A_243 {strides = array<i32>} : memref<6656xi32, #tpu.memory_space<vmem>>, vector<16xi32>,
        %sub3A_246 = arith.constant 3 : i32
        %sub3A_247 = arith.subi %add3A_103, %sub3A_246 : i32
        %get3A_248 = arith.index_cast %sub3A_247 : i32 to index
        %get3A_249 = tpu.vector_load %arg13[%get3A_248] {strides = array<i32>} : memref<7168xi32, #tpu.memory_space<vmem>>, vector<16xi32>,
        %mul3A_250 = arith.constant 49842 : i32
        %mul3A_251 = vector.broadcast %mul3A_250 : i32 to vector<16xi32>
        %mul3A_252 = arith.muli %get3A_249, %mul3A_251 : vector<16xi32>
        %mul3A_253 = arith.constant 44605 : i32
        %mul3A_254 = vector.broadcast %mul3A_253 : i32 to vector<16xi32>
        %mul3A_255 = arith.muli %get3A_249, %mul3A_254 : vector<16xi32>
        %and3A_256 = arith.constant 65535 : i32
        %and3A_257 = vector.broadcast %and3A_256 : i32 to vector<16xi32>
        %and3A_258 = arith.andi %mul3A_255, %and3A_257 : vector<16xi32>
        %xor3A_259 = arith.xori %xor3A_183, %and3A_258 : vector<16xi32>
        %shift_right_arithmetic3A_260 = arith.constant 16 : i32
        %shift_right_arithmetic3A_261 = vector.broadcast %shift_right_arithmetic3A_260 : i32 to vector<16xi32>
        %shift_right_arithmetic3A_262 = arith.shrsi %mul3A_255, %shift_right_arithmetic3A_261 : vector<16xi32>
        %and3A_263 = arith.constant 65535 : i32
        %and3A_264 = vector.broadcast %and3A_263 : i32 to vector<16xi32>
        %and3A_265 = arith.andi %mul3A_252, %and3A_264 : vector<16xi32>
        %add3A_266 = arith.addi %shift_right_arithmetic3A_262, %and3A_265 : vector<16xi32>
        %and3A_267 = arith.constant 65535 : i32
        %and3A_268 = vector.broadcast %and3A_267 : i32 to vector<16xi32>
        %and3A_269 = arith.andi %add3A_266, %and3A_268 : vector<16xi32>
        %xor3A_270 = arith.xori %xor3A_194, %and3A_269 : vector<16xi32>
        %shift_right_arithmetic3A_271 = arith.constant 16 : i32
        %shift_right_arithmetic3A_272 = vector.broadcast %shift_right_arithmetic3A_271 : i32 to vector<16xi32>
        %shift_right_arithmetic3A_273 = arith.shrsi %mul3A_252, %shift_right_arithmetic3A_272 : vector<16xi32>
        %shift_right_arithmetic3A_274 = arith.constant 16 : i32
        %shift_right_arithmetic3A_275 = vector.broadcast %shift_right_arithmetic3A_274 : i32 to vector<16xi32>
        %shift_right_arithmetic3A_276 = arith.shrsi %add3A_266, %shift_right_arithmetic3A_275 : vector<16xi32>
        %add3A_277 = arith.addi %shift_right_arithmetic3A_273, %shift_right_arithmetic3A_276 : vector<16xi32>
        %xor3A_278 = arith.xori %xor3A_202, %add3A_277 : vector<16xi32>
        %sub3A_279 = arith.constant 4 : i32
        %sub3A_280 = arith.subi %add3A_103, %sub3A_279 : i32
        %get3A_281 = arith.index_cast %sub3A_280 : i32 to index
        %get3A_282 = tpu.vector_load %arg13[%get3A_281] {strides = array<i32>} : memref<7168xi32, #tpu.memory_space<vmem>>, vector<16xi32>,
        %mul3A_283 = arith.constant 30947 : i32
        %mul3A_284 = vector.broadcast %mul3A_283 : i32 to vector<16xi32>
        %mul3A_285 = arith.muli %get3A_282, %mul3A_284 : vector<16xi32>
        %mul3A_286 = arith.constant 35921 : i32
        %mul3A_287 = vector.broadcast %mul3A_286 : i32 to vector<16xi32>
        %mul3A_288 = arith.muli %get3A_282, %mul3A_287 : vector<16xi32>
        %and3A_289 = arith.constant 65535 : i32
        %and3A_290 = vector.broadcast %and3A_289 : i32 to vector<16xi32>
        %and3A_291 = arith.andi %mul3A_288, %and3A_290 : vector<16xi32>
        %xor3A_292 = arith.xori %xor3A_259, %and3A_291 : vector<16xi32>
        %shift_right_arithmetic3A_293 = arith.constant 16 : i32
        %shift_right_arithmetic3A_294 = vector.broadcast %shift_right_arithmetic3A_293 : i32 to vector<16xi32>
        %shift_right_arithmetic3A_295 = arith.shrsi %mul3A_288, %shift_right_arithmetic3A_294 : vector<16xi32>
        %and3A_296 = arith.constant 65535 : i32
        %and3A_297 = vector.broadcast %and3A_296 : i32 to vector<16xi32>
        %and3A_298 = arith.andi %mul3A_285, %and3A_297 : vector<16xi32>
        %add3A_299 = arith.addi %shift_right_arithmetic3A_295, %and3A_298 : vector<16xi32>
        %and3A_300 = arith.constant 65535 : i32
        %and3A_301 = vector.broadcast %and3A_300 : i32 to vector<16xi32>
        %and3A_302 = arith.andi %add3A_299, %and3A_301 : vector<16xi32>
        %xor3A_303 = arith.xori %xor3A_270, %and3A_302 : vector<16xi32>
        %shift_right_arithmetic3A_304 = arith.constant 16 : i32
        %shift_right_arithmetic3A_305 = vector.broadcast %shift_right_arithmetic3A_304 : i32 to vector<16xi32>
        %shift_right_arithmetic3A_306 = arith.shrsi %mul3A_285, %shift_right_arithmetic3A_305 : vector<16xi32>
        %shift_right_arithmetic3A_307 = arith.constant 16 : i32
        %shift_right_arithmetic3A_308 = vector.broadcast %shift_right_arithmetic3A_307 : i32 to vector<16xi32>
        %shift_right_arithmetic3A_309 = arith.shrsi %add3A_299, %shift_right_arithmetic3A_308 : vector<16xi32>
        %add3A_310 = arith.addi %shift_right_arithmetic3A_306, %shift_right_arithmetic3A_309 : vector<16xi32>
        %xor3A_311 = arith.xori %xor3A_278, %add3A_310 : vector<16xi32>
        %mul3A_312 = arith.constant 967296 : i32
        %mul3A_313 = vector.broadcast %mul3A_312 : i32 to vector<16xi32>
        %mul3A_314 = arith.muli %xor3A_311, %mul3A_313 : vector<16xi32>
        %shift_right_arithmetic3A_315 = arith.constant 8 : i32
        %shift_right_arithmetic3A_316 = vector.broadcast %shift_right_arithmetic3A_315 : i32 to vector<16xi32>
        %shift_right_arithmetic3A_317 = arith.shrsi %xor3A_303, %shift_right_arithmetic3A_316 : vector<16xi32>
        %mul3A_318 = arith.constant 777216 : i32
        %mul3A_319 = vector.broadcast %mul3A_318 : i32 to vector<16xi32>
        %mul3A_320 = arith.muli %shift_right_arithmetic3A_317, %mul3A_319 : vector<16xi32>
        %add3A_321 = arith.addi %mul3A_314, %mul3A_320 : vector<16xi32>
        %and3A_322 = arith.constant 255 : i32
        %and3A_323 = vector.broadcast %and3A_322 : i32 to vector<16xi32>
        %and3A_324 = arith.andi %xor3A_303, %and3A_323 : vector<16xi32>
        %mul3A_325 = arith.constant 65536 : i32
        %mul3A_326 = vector.broadcast %mul3A_325 : i32 to vector<16xi32>
        %mul3A_327 = arith.muli %and3A_324, %mul3A_326 : vector<16xi32>
        %add3A_328 = arith.addi %add3A_321, %mul3A_327 : vector<16xi32>
        %add3A_329 = arith.addi %add3A_328, %xor3A_292 : vector<16xi32>
        %convert_element_type3A_330 = arith.sitofp %add3A_329 : vector<16xi32> to vector<16xf32>
        %mul3A_331 = arith.constant 5.000000e-07 : f32
        %mul3A_332 = vector.broadcast %mul3A_331 : f32 to vector<16xf32>
        %mul3A_333 = arith.mulf %convert_element_type3A_330, %mul3A_332 : vector<16xf32>
        %convert_element_type3A_334 = arith.fptosi %mul3A_333 : vector<16xf32> to vector<16xi32>
        %mul3A_335 = arith.constant 2000000 : i32
        %mul3A_336 = vector.broadcast %mul3A_335 : i32 to vector<16xi32>
        %mul3A_337 = arith.muli %convert_element_type3A_334, %mul3A_336 : vector<16xi32>
        %sub3A_338 = arith.subi %add3A_329, %mul3A_337 : vector<16xi32>
        %lt3A_339 = arith.constant 0 : i32
        %lt3A_340 = vector.broadcast %lt3A_339 : i32 to vector<16xi32>
        %lt3A_341 = arith.cmpi slt, %sub3A_338, %lt3A_340 : vector<16xi32>
        %add3A_342 = arith.constant 2000000 : i32
        %add3A_343 = vector.broadcast %add3A_342 : i32 to vector<16xi32>
        %add3A_344 = arith.addi %sub3A_338, %add3A_343 : vector<16xi32>
        %select_n3A_345 = arith.select %lt3A_341, %add3A_344, %sub3A_338 : vector<16xi1>, vector<16xi32>
        %ge3A_346 = arith.constant 2000000 : i32
        %ge3A_347 = vector.broadcast %ge3A_346 : i32 to vector<16xi32>
        %ge3A_348 = arith.cmpi sge, %select_n3A_345, %ge3A_347 : vector<16xi32>
        %sub3A_349 = arith.constant 2000000 : i32
        %sub3A_350 = vector.broadcast %sub3A_349 : i32 to vector<16xi32>
        %sub3A_351 = arith.subi %select_n3A_345, %sub3A_350 : vector<16xi32>
        %select_n3A_352 = arith.select %ge3A_348, %sub3A_351, %select_n3A_345 : vector<16xi1>, vector<16xi32>
        %swap3A_353 = arith.index_cast %add3A_96 : i32 to index
        %swap3A_354 = tpu.vector_load %arg16[%swap3A_353] {strides = array<i32>} : memref<6656xi32, #tpu.memory_space<vmem>>, vector<16xi32>,
        tpu.vector_store %arg16[%swap3A_353], %select_n3A_352 {strides = array<i32>} : memref<6656xi32, #tpu.memory_space<vmem>>, vector<16xi32>,
        %sub3A_355 = arith.constant 5 : i32
        %sub3A_356 = arith.subi %add3A_103, %sub3A_355 : i32
        %get3A_357 = arith.index_cast %sub3A_356 : i32 to index
        %get3A_358 = tpu.vector_load %arg13[%get3A_357] {strides = array<i32>} : memref<7168xi32, #tpu.memory_space<vmem>>, vector<16xi32>,
        %mul3A_359 = arith.constant 18626 : i32
        %mul3A_360 = vector.broadcast %mul3A_359 : i32 to vector<16xi32>
        %mul3A_361 = arith.muli %get3A_358, %mul3A_360 : vector<16xi32>
        %mul3A_362 = arith.constant 29589 : i32
        %mul3A_363 = vector.broadcast %mul3A_362 : i32 to vector<16xi32>
        %mul3A_364 = arith.muli %get3A_358, %mul3A_363 : vector<16xi32>
        %and3A_365 = arith.constant 65535 : i32
        %and3A_366 = vector.broadcast %and3A_365 : i32 to vector<16xi32>
        %and3A_367 = arith.andi %mul3A_364, %and3A_366 : vector<16xi32>
        %xor3A_368 = arith.xori %xor3A_292, %and3A_367 : vector<16xi32>
        %shift_right_arithmetic3A_369 = arith.constant 16 : i32
        %shift_right_arithmetic3A_370 = vector.broadcast %shift_right_arithmetic3A_369 : i32 to vector<16xi32>
        %shift_right_arithmetic3A_371 = arith.shrsi %mul3A_364, %shift_right_arithmetic3A_370 : vector<16xi32>
        %and3A_372 = arith.constant 65535 : i32
        %and3A_373 = vector.broadcast %and3A_372 : i32 to vector<16xi32>
        %and3A_374 = arith.andi %mul3A_361, %and3A_373 : vector<16xi32>
        %add3A_375 = arith.addi %shift_right_arithmetic3A_371, %and3A_374 : vector<16xi32>
        %and3A_376 = arith.constant 65535 : i32
        %and3A_377 = vector.broadcast %and3A_376 : i32 to vector<16xi32>
        %and3A_378 = arith.andi %add3A_375, %and3A_377 : vector<16xi32>
        %xor3A_379 = arith.xori %xor3A_303, %and3A_378 : vector<16xi32>
        %shift_right_arithmetic3A_380 = arith.constant 16 : i32
        %shift_right_arithmetic3A_381 = vector.broadcast %shift_right_arithmetic3A_380 : i32 to vector<16xi32>
        %shift_right_arithmetic3A_382 = arith.shrsi %mul3A_361, %shift_right_arithmetic3A_381 : vector<16xi32>
        %shift_right_arithmetic3A_383 = arith.constant 16 : i32
        %shift_right_arithmetic3A_384 = vector.broadcast %shift_right_arithmetic3A_383 : i32 to vector<16xi32>
        %shift_right_arithmetic3A_385 = arith.shrsi %add3A_375, %shift_right_arithmetic3A_384 : vector<16xi32>
        %add3A_386 = arith.addi %shift_right_arithmetic3A_382, %shift_right_arithmetic3A_385 : vector<16xi32>
        %xor3A_387 = arith.xori %xor3A_311, %add3A_386 : vector<16xi32>
        %sub3A_388 = arith.constant 6 : i32
        %sub3A_389 = arith.subi %add3A_103, %sub3A_388 : i32
        %get3A_390 = arith.index_cast %sub3A_389 : i32 to index
        %get3A_391 = tpu.vector_load %arg13[%get3A_390] {strides = array<i32>} : memref<7168xi32, #tpu.memory_space<vmem>>, vector<16xi32>,
        %mul3A_392 = arith.constant 24576 : i32
        %mul3A_393 = vector.broadcast %mul3A_392 : i32 to vector<16xi32>
        %mul3A_394 = arith.muli %get3A_391, %mul3A_393 : vector<16xi32>
        %mul3A_395 = arith.constant 5 : i32
        %mul3A_396 = vector.broadcast %mul3A_395 : i32 to vector<16xi32>
        %mul3A_397 = arith.muli %get3A_391, %mul3A_396 : vector<16xi32>
        %and3A_398 = arith.constant 65535 : i32
        %and3A_399 = vector.broadcast %and3A_398 : i32 to vector<16xi32>
        %and3A_400 = arith.andi %mul3A_397, %and3A_399 : vector<16xi32>
        %xor3A_401 = arith.xori %xor3A_368, %and3A_400 : vector<16xi32>
        %shift_right_arithmetic3A_402 = arith.constant 16 : i32
        %shift_right_arithmetic3A_403 = vector.broadcast %shift_right_arithmetic3A_402 : i32 to vector<16xi32>
        %shift_right_arithmetic3A_404 = arith.shrsi %mul3A_397, %shift_right_arithmetic3A_403 : vector<16xi32>
        %and3A_405 = arith.constant 65535 : i32
        %and3A_406 = vector.broadcast %and3A_405 : i32 to vector<16xi32>
        %and3A_407 = arith.andi %mul3A_394, %and3A_406 : vector<16xi32>
        %add3A_408 = arith.addi %shift_right_arithmetic3A_404, %and3A_407 : vector<16xi32>
        %and3A_409 = arith.constant 65535 : i32
        %and3A_410 = vector.broadcast %and3A_409 : i32 to vector<16xi32>
        %and3A_411 = arith.andi %add3A_408, %and3A_410 : vector<16xi32>
        %xor3A_412 = arith.xori %xor3A_379, %and3A_411 : vector<16xi32>
        %shift_right_arithmetic3A_413 = arith.constant 16 : i32
        %shift_right_arithmetic3A_414 = vector.broadcast %shift_right_arithmetic3A_413 : i32 to vector<16xi32>
        %shift_right_arithmetic3A_415 = arith.shrsi %mul3A_394, %shift_right_arithmetic3A_414 : vector<16xi32>
        %shift_right_arithmetic3A_416 = arith.constant 16 : i32
        %shift_right_arithmetic3A_417 = vector.broadcast %shift_right_arithmetic3A_416 : i32 to vector<16xi32>
        %shift_right_arithmetic3A_418 = arith.shrsi %add3A_408, %shift_right_arithmetic3A_417 : vector<16xi32>
        %add3A_419 = arith.addi %shift_right_arithmetic3A_415, %shift_right_arithmetic3A_418 : vector<16xi32>
        %xor3A_420 = arith.xori %xor3A_387, %add3A_419 : vector<16xi32>
        %sub3A_421 = arith.constant 7 : i32
        %sub3A_422 = arith.subi %add3A_103, %sub3A_421 : i32
        %get3A_423 = arith.index_cast %sub3A_422 : i32 to index
        %get3A_424 = tpu.vector_load %arg13[%get3A_423] {strides = array<i32>} : memref<7168xi32, #tpu.memory_space<vmem>>, vector<16xi32>,
        %mul3A_425 = arith.constant 12288 : i32
        %mul3A_426 = vector.broadcast %mul3A_425 : i32 to vector<16xi32>
        %mul3A_427 = arith.muli %get3A_424, %mul3A_426 : vector<16xi32>
        %mul3A_428 = arith.constant 89 : i32
        %mul3A_429 = vector.broadcast %mul3A_428 : i32 to vector<16xi32>
        %mul3A_430 = arith.muli %get3A_424, %mul3A_429 : vector<16xi32>
        %and3A_431 = arith.constant 65535 : i32
        %and3A_432 = vector.broadcast %and3A_431 : i32 to vector<16xi32>
        %and3A_433 = arith.andi %mul3A_430, %and3A_432 : vector<16xi32>
        %xor3A_434 = arith.xori %xor3A_401, %and3A_433 : vector<16xi32>
        %shift_right_arithmetic3A_435 = arith.constant 16 : i32
        %shift_right_arithmetic3A_436 = vector.broadcast %shift_right_arithmetic3A_435 : i32 to vector<16xi32>
        %shift_right_arithmetic3A_437 = arith.shrsi %mul3A_430, %shift_right_arithmetic3A_436 : vector<16xi32>
        %and3A_438 = arith.constant 65535 : i32
        %and3A_439 = vector.broadcast %and3A_438 : i32 to vector<16xi32>
        %and3A_440 = arith.andi %mul3A_427, %and3A_439 : vector<16xi32>
        %add3A_441 = arith.addi %shift_right_arithmetic3A_437, %and3A_440 : vector<16xi32>
        %and3A_442 = arith.constant 65535 : i32
        %and3A_443 = vector.broadcast %and3A_442 : i32 to vector<16xi32>
        %and3A_444 = arith.andi %add3A_441, %and3A_443 : vector<16xi32>
        %xor3A_445 = arith.xori %xor3A_412, %and3A_444 : vector<16xi32>
        %shift_right_arithmetic3A_446 = arith.constant 16 : i32
        %shift_right_arithmetic3A_447 = vector.broadcast %shift_right_arithmetic3A_446 : i32 to vector<16xi32>
        %shift_right_arithmetic3A_448 = arith.shrsi %mul3A_427, %shift_right_arithmetic3A_447 : vector<16xi32>
        %shift_right_arithmetic3A_449 = arith.constant 16 : i32
        %shift_right_arithmetic3A_450 = vector.broadcast %shift_right_arithmetic3A_449 : i32 to vector<16xi32>
        %shift_right_arithmetic3A_451 = arith.shrsi %add3A_441, %shift_right_arithmetic3A_450 : vector<16xi32>
        %add3A_452 = arith.addi %shift_right_arithmetic3A_448, %shift_right_arithmetic3A_451 : vector<16xi32>
        %xor3A_453 = arith.xori %xor3A_420, %add3A_452 : vector<16xi32>
        %sub3A_454 = arith.constant 8 : i32
        %sub3A_455 = arith.subi %add3A_103, %sub3A_454 : i32
        %get3A_456 = arith.index_cast %sub3A_455 : i32 to index
        %get3A_457 = tpu.vector_load %arg13[%get3A_456] {strides = array<i32>} : memref<7168xi32, #tpu.memory_space<vmem>>, vector<16xi32>,
        %mul3A_458 = arith.constant 6144 : i32
        %mul3A_459 = vector.broadcast %mul3A_458 : i32 to vector<16xi32>
        %mul3A_460 = arith.muli %get3A_457, %mul3A_459 : vector<16xi32>
        %mul3A_461 = arith.constant 5 : i32
        %mul3A_462 = vector.broadcast %mul3A_461 : i32 to vector<16xi32>
        %mul3A_463 = arith.muli %get3A_457, %mul3A_462 : vector<16xi32>
        %and3A_464 = arith.constant 65535 : i32
        %and3A_465 = vector.broadcast %and3A_464 : i32 to vector<16xi32>
        %and3A_466 = arith.andi %mul3A_463, %and3A_465 : vector<16xi32>
        %xor3A_467 = arith.xori %xor3A_434, %and3A_466 : vector<16xi32>
        %shift_right_arithmetic3A_468 = arith.constant 16 : i32
        %shift_right_arithmetic3A_469 = vector.broadcast %shift_right_arithmetic3A_468 : i32 to vector<16xi32>
        %shift_right_arithmetic3A_470 = arith.shrsi %mul3A_463, %shift_right_arithmetic3A_469 : vector<16xi32>
        %and3A_471 = arith.constant 65535 : i32
        %and3A_472 = vector.broadcast %and3A_471 : i32 to vector<16xi32>
        %and3A_473 = arith.andi %mul3A_460, %and3A_472 : vector<16xi32>
        %add3A_474 = arith.addi %shift_right_arithmetic3A_470, %and3A_473 : vector<16xi32>
        %and3A_475 = arith.constant 65535 : i32
        %and3A_476 = vector.broadcast %and3A_475 : i32 to vector<16xi32>
        %and3A_477 = arith.andi %add3A_474, %and3A_476 : vector<16xi32>
        %xor3A_478 = arith.xori %xor3A_445, %and3A_477 : vector<16xi32>
        %shift_right_arithmetic3A_479 = arith.constant 16 : i32
        %shift_right_arithmetic3A_480 = vector.broadcast %shift_right_arithmetic3A_479 : i32 to vector<16xi32>
        %shift_right_arithmetic3A_481 = arith.shrsi %mul3A_460, %shift_right_arithmetic3A_480 : vector<16xi32>
        %shift_right_arithmetic3A_482 = arith.constant 16 : i32
        %shift_right_arithmetic3A_483 = vector.broadcast %shift_right_arithmetic3A_482 : i32 to vector<16xi32>
        %shift_right_arithmetic3A_484 = arith.shrsi %add3A_474, %shift_right_arithmetic3A_483 : vector<16xi32>
        %add3A_485 = arith.addi %shift_right_arithmetic3A_481, %shift_right_arithmetic3A_484 : vector<16xi32>
        %xor3A_486 = arith.xori %xor3A_453, %add3A_485 : vector<16xi32>
        %mul3A_487 = arith.constant 967296 : i32
        %mul3A_488 = vector.broadcast %mul3A_487 : i32 to vector<16xi32>
        %mul3A_489 = arith.muli %xor3A_486, %mul3A_488 : vector<16xi32>
        %shift_right_arithmetic3A_490 = arith.constant 8 : i32
        %shift_right_arithmetic3A_491 = vector.broadcast %shift_right_arithmetic3A_490 : i32 to vector<16xi32>
        %shift_right_arithmetic3A_492 = arith.shrsi %xor3A_478, %shift_right_arithmetic3A_491 : vector<16xi32>
        %mul3A_493 = arith.constant 777216 : i32
        %mul3A_494 = vector.broadcast %mul3A_493 : i32 to vector<16xi32>
        %mul3A_495 = arith.muli %shift_right_arithmetic3A_492, %mul3A_494 : vector<16xi32>
        %add3A_496 = arith.addi %mul3A_489, %mul3A_495 : vector<16xi32>
        %and3A_497 = arith.constant 255 : i32
        %and3A_498 = vector.broadcast %and3A_497 : i32 to vector<16xi32>
        %and3A_499 = arith.andi %xor3A_478, %and3A_498 : vector<16xi32>
        %mul3A_500 = arith.constant 65536 : i32
        %mul3A_501 = vector.broadcast %mul3A_500 : i32 to vector<16xi32>
        %mul3A_502 = arith.muli %and3A_499, %mul3A_501 : vector<16xi32>
        %add3A_503 = arith.addi %add3A_496, %mul3A_502 : vector<16xi32>
        %add3A_504 = arith.addi %add3A_503, %xor3A_467 : vector<16xi32>
        %convert_element_type3A_505 = arith.sitofp %add3A_504 : vector<16xi32> to vector<16xf32>
        %mul3A_506 = arith.constant 5.000000e-07 : f32
        %mul3A_507 = vector.broadcast %mul3A_506 : f32 to vector<16xf32>
        %mul3A_508 = arith.mulf %convert_element_type3A_505, %mul3A_507 : vector<16xf32>
        %convert_element_type3A_509 = arith.fptosi %mul3A_508 : vector<16xf32> to vector<16xi32>
        %mul3A_510 = arith.constant 2000000 : i32
        %mul3A_511 = vector.broadcast %mul3A_510 : i32 to vector<16xi32>
        %mul3A_512 = arith.muli %convert_element_type3A_509, %mul3A_511 : vector<16xi32>
        %sub3A_513 = arith.subi %add3A_504, %mul3A_512 : vector<16xi32>
        %lt3A_514 = arith.constant 0 : i32
        %lt3A_515 = vector.broadcast %lt3A_514 : i32 to vector<16xi32>
        %lt3A_516 = arith.cmpi slt, %sub3A_513, %lt3A_515 : vector<16xi32>
        %add3A_517 = arith.constant 2000000 : i32
        %add3A_518 = vector.broadcast %add3A_517 : i32 to vector<16xi32>
        %add3A_519 = arith.addi %sub3A_513, %add3A_518 : vector<16xi32>
        %select_n3A_520 = arith.select %lt3A_516, %add3A_519, %sub3A_513 : vector<16xi1>, vector<16xi32>
        %ge3A_521 = arith.constant 2000000 : i32
        %ge3A_522 = vector.broadcast %ge3A_521 : i32 to vector<16xi32>
        %ge3A_523 = arith.cmpi sge, %select_n3A_520, %ge3A_522 : vector<16xi32>
        %sub3A_524 = arith.constant 2000000 : i32
        %sub3A_525 = vector.broadcast %sub3A_524 : i32 to vector<16xi32>
        %sub3A_526 = arith.subi %select_n3A_520, %sub3A_525 : vector<16xi32>
        %select_n3A_527 = arith.select %ge3A_523, %sub3A_526, %select_n3A_520 : vector<16xi1>, vector<16xi32>
        %swap3A_528 = arith.index_cast %add3A_96 : i32 to index
        %swap3A_529 = tpu.vector_load %arg17[%swap3A_528] {strides = array<i32>} : memref<6656xi32, #tpu.memory_space<vmem>>, vector<16xi32>,
        tpu.vector_store %arg17[%swap3A_528], %select_n3A_527 {strides = array<i32>} : memref<6656xi32, #tpu.memory_space<vmem>>, vector<16xi32>,
      }
      %scan3A_43 = arith.constant 13 : i32
      %mul3A_44 = arith.constant 208 : i32
      %mul3A_45 = arith.muli %scan3A_38, %mul3A_44 : i32
      %add3A_46 = arith.constant 0 : i32
      %add3A_47 = arith.addi %mul3A_45, %add3A_46 : i32
      %dma_start3A = tpu.memref_slice %arg18[%add3A_47] : memref<13312xf32, #tpu.memory_space<vmem>> -> memref<104xf32, #tpu.memory_space<vmem>>
      %dma_start3A_48 = tpu.memref_slice %arg14[%add3A_47] : memref<6656xi32, #tpu.memory_space<vmem>> -> memref<104xi32, #tpu.memory_space<vmem>>
      %dma_start3A_49 = arith.constant 0 : i32
      %dma_start3A_50 = tpu.memref_slice %arg3[%dma_start3A_49] : memref<2000000xf32, #tpu.memory_space<hbm>> -> memref<2000000xf32, #tpu.memory_space<hbm>>
      tpu.enqueue_indirect_dma source(%dma_start3A_50 : memref<2000000xf32, #tpu.memory_space<hbm>>) target(%dma_start3A : memref<104xf32, #tpu.memory_space<vmem>>) offsets(%dma_start3A_48 : memref<104xi32, #tpu.memory_space<vmem>>) semaphore(%arg22 : memref<!tpu.dma_semaphore, #tpu.memory_space<semaphore_mem>>)
      %add3A_51 = arith.constant 6656 : i32
      %add3A_52 = arith.addi %add3A_51, %add3A_47 : i32
      %dma_start3A_53 = tpu.memref_slice %arg18[%add3A_52] : memref<13312xf32, #tpu.memory_space<vmem>> -> memref<104xf32, #tpu.memory_space<vmem>>
      %dma_start3A_54 = tpu.memref_slice %arg14[%add3A_47] : memref<6656xi32, #tpu.memory_space<vmem>> -> memref<104xi32, #tpu.memory_space<vmem>>
      %dma_start3A_55 = arith.constant 0 : i32
      %dma_start3A_56 = tpu.memref_slice %arg4[%dma_start3A_55] : memref<2000000xf32, #tpu.memory_space<hbm>> -> memref<2000000xf32, #tpu.memory_space<hbm>>
      tpu.enqueue_indirect_dma source(%dma_start3A_56 : memref<2000000xf32, #tpu.memory_space<hbm>>) target(%dma_start3A_53 : memref<104xf32, #tpu.memory_space<vmem>>) offsets(%dma_start3A_54 : memref<104xi32, #tpu.memory_space<vmem>>) semaphore(%arg22 : memref<!tpu.dma_semaphore, #tpu.memory_space<semaphore_mem>>)
      %dma_start3A_57 = tpu.memref_slice %arg19[%add3A_47] : memref<13312xf32, #tpu.memory_space<vmem>> -> memref<104xf32, #tpu.memory_space<vmem>>
      %dma_start3A_58 = tpu.memref_slice %arg15[%add3A_47] : memref<6656xi32, #tpu.memory_space<vmem>> -> memref<104xi32, #tpu.memory_space<vmem>>
      %dma_start3A_59 = arith.constant 0 : i32
      %dma_start3A_60 = tpu.memref_slice %arg5[%dma_start3A_59] : memref<2000000xf32, #tpu.memory_space<hbm>> -> memref<2000000xf32, #tpu.memory_space<hbm>>
      tpu.enqueue_indirect_dma source(%dma_start3A_60 : memref<2000000xf32, #tpu.memory_space<hbm>>) target(%dma_start3A_57 : memref<104xf32, #tpu.memory_space<vmem>>) offsets(%dma_start3A_58 : memref<104xi32, #tpu.memory_space<vmem>>) semaphore(%arg22 : memref<!tpu.dma_semaphore, #tpu.memory_space<semaphore_mem>>)
      %add3A_61 = arith.constant 6656 : i32
      %add3A_62 = arith.addi %add3A_61, %add3A_47 : i32
      %dma_start3A_63 = tpu.memref_slice %arg19[%add3A_62] : memref<13312xf32, #tpu.memory_space<vmem>> -> memref<104xf32, #tpu.memory_space<vmem>>
      %dma_start3A_64 = tpu.memref_slice %arg15[%add3A_47] : memref<6656xi32, #tpu.memory_space<vmem>> -> memref<104xi32, #tpu.memory_space<vmem>>
      %dma_start3A_65 = arith.constant 0 : i32
      %dma_start3A_66 = tpu.memref_slice %arg6[%dma_start3A_65] : memref<2000000xf32, #tpu.memory_space<hbm>> -> memref<2000000xf32, #tpu.memory_space<hbm>>
      tpu.enqueue_indirect_dma source(%dma_start3A_66 : memref<2000000xf32, #tpu.memory_space<hbm>>) target(%dma_start3A_63 : memref<104xf32, #tpu.memory_space<vmem>>) offsets(%dma_start3A_64 : memref<104xi32, #tpu.memory_space<vmem>>) semaphore(%arg22 : memref<!tpu.dma_semaphore, #tpu.memory_space<semaphore_mem>>)
      %mul3A_67 = arith.constant 208 : i32
      %mul3A_68 = arith.muli %scan3A_38, %mul3A_67 : i32
      %add3A_69 = arith.constant 104 : i32
      %add3A_70 = arith.addi %mul3A_68, %add3A_69 : i32
      %dma_start3A_71 = tpu.memref_slice %arg18[%add3A_70] : memref<13312xf32, #tpu.memory_space<vmem>> -> memref<104xf32, #tpu.memory_space<vmem>>
      %dma_start3A_72 = tpu.memref_slice %arg14[%add3A_70] : memref<6656xi32, #tpu.memory_space<vmem>> -> memref<104xi32, #tpu.memory_space<vmem>>
      %dma_start3A_73 = arith.constant 0 : i32
      %dma_start3A_74 = tpu.memref_slice %arg3[%dma_start3A_73] : memref<2000000xf32, #tpu.memory_space<hbm>> -> memref<2000000xf32, #tpu.memory_space<hbm>>
      tpu.enqueue_indirect_dma source(%dma_start3A_74 : memref<2000000xf32, #tpu.memory_space<hbm>>) target(%dma_start3A_71 : memref<104xf32, #tpu.memory_space<vmem>>) offsets(%dma_start3A_72 : memref<104xi32, #tpu.memory_space<vmem>>) semaphore(%arg22 : memref<!tpu.dma_semaphore, #tpu.memory_space<semaphore_mem>>)
      %add3A_75 = arith.constant 6656 : i32
      %add3A_76 = arith.addi %add3A_75, %add3A_70 : i32
      %dma_start3A_77 = tpu.memref_slice %arg18[%add3A_76] : memref<13312xf32, #tpu.memory_space<vmem>> -> memref<104xf32, #tpu.memory_space<vmem>>
      %dma_start3A_78 = tpu.memref_slice %arg14[%add3A_70] : memref<6656xi32, #tpu.memory_space<vmem>> -> memref<104xi32, #tpu.memory_space<vmem>>
      %dma_start3A_79 = arith.constant 0 : i32
      %dma_start3A_80 = tpu.memref_slice %arg4[%dma_start3A_79] : memref<2000000xf32, #tpu.memory_space<hbm>> -> memref<2000000xf32, #tpu.memory_space<hbm>>
      tpu.enqueue_indirect_dma source(%dma_start3A_80 : memref<2000000xf32, #tpu.memory_space<hbm>>) target(%dma_start3A_77 : memref<104xf32, #tpu.memory_space<vmem>>) offsets(%dma_start3A_78 : memref<104xi32, #tpu.memory_space<vmem>>) semaphore(%arg22 : memref<!tpu.dma_semaphore, #tpu.memory_space<semaphore_mem>>)
      %dma_start3A_81 = tpu.memref_slice %arg19[%add3A_70] : memref<13312xf32, #tpu.memory_space<vmem>> -> memref<104xf32, #tpu.memory_space<vmem>>
      %dma_start3A_82 = tpu.memref_slice %arg15[%add3A_70] : memref<6656xi32, #tpu.memory_space<vmem>> -> memref<104xi32, #tpu.memory_space<vmem>>
      %dma_start3A_83 = arith.constant 0 : i32
      %dma_start3A_84 = tpu.memref_slice %arg5[%dma_start3A_83] : memref<2000000xf32, #tpu.memory_space<hbm>> -> memref<2000000xf32, #tpu.memory_space<hbm>>
      tpu.enqueue_indirect_dma source(%dma_start3A_84 : memref<2000000xf32, #tpu.memory_space<hbm>>) target(%dma_start3A_81 : memref<104xf32, #tpu.memory_space<vmem>>) offsets(%dma_start3A_82 : memref<104xi32, #tpu.memory_space<vmem>>) semaphore(%arg22 : memref<!tpu.dma_semaphore, #tpu.memory_space<semaphore_mem>>)
      %add3A_85 = arith.constant 6656 : i32
      %add3A_86 = arith.addi %add3A_85, %add3A_70 : i32
      %dma_start3A_87 = tpu.memref_slice %arg19[%add3A_86] : memref<13312xf32, #tpu.memory_space<vmem>> -> memref<104xf32, #tpu.memory_space<vmem>>
      %dma_start3A_88 = tpu.memref_slice %arg15[%add3A_70] : memref<6656xi32, #tpu.memory_space<vmem>> -> memref<104xi32, #tpu.memory_space<vmem>>
      %dma_start3A_89 = arith.constant 0 : i32
      %dma_start3A_90 = tpu.memref_slice %arg6[%dma_start3A_89] : memref<2000000xf32, #tpu.memory_space<hbm>> -> memref<2000000xf32, #tpu.memory_space<hbm>>
      tpu.enqueue_indirect_dma source(%dma_start3A_90 : memref<2000000xf32, #tpu.memory_space<hbm>>) target(%dma_start3A_87 : memref<104xf32, #tpu.memory_space<vmem>>) offsets(%dma_start3A_88 : memref<104xi32, #tpu.memory_space<vmem>>) semaphore(%arg22 : memref<!tpu.dma_semaphore, #tpu.memory_space<semaphore_mem>>)
    }
    %scan3A_12 = arith.constant 32 : i32
    %scan3A_13 = arith.constant 0 : i32
    %scan3A_14 = arith.constant 64 : i32
    %scan3A_15 = arith.addi %scan3A_13, %scan3A_14 : i32
    %scan3A_16 = arith.constant 1 : i32
    scf.for %scan3A_38 = %scan3A_13 to %scan3A_15 step %scan3A_16  : i32 {
      %mul3A_39 = arith.constant 104 : i32
      %mul3A_40 = arith.muli %scan3A_38, %mul3A_39 : i32
      %dma_wait3A = tpu.memref_slice %arg18[%mul3A_40] : memref<13312xf32, #tpu.memory_space<vmem>> -> memref<104xf32, #tpu.memory_space<vmem>>
      %dma_wait3A_41 = tpu.memref_slice %arg14[%mul3A_40] : memref<6656xi32, #tpu.memory_space<vmem>> -> memref<104xi32, #tpu.memory_space<vmem>>
      %dma_wait3A_42 = arith.constant 0 : i32
      %dma_wait3A_43 = tpu.memref_slice %arg3[%dma_wait3A_42] : memref<2000000xf32, #tpu.memory_space<hbm>> -> memref<2000000xf32, #tpu.memory_space<hbm>>
      tpu.wait_indirect_dma semaphore(%arg22 : memref<!tpu.dma_semaphore, #tpu.memory_space<semaphore_mem>>) src(%dma_wait3A_43 : memref<2000000xf32, #tpu.memory_space<hbm>>) dst(%dma_wait3A : memref<104xf32, #tpu.memory_space<vmem>>)
      %add3A_44 = arith.constant 6656 : i32
      %add3A_45 = arith.addi %add3A_44, %mul3A_40 : i32
      %dma_wait3A_46 = tpu.memref_slice %arg18[%add3A_45] : memref<13312xf32, #tpu.memory_space<vmem>> -> memref<104xf32, #tpu.memory_space<vmem>>
      %dma_wait3A_47 = tpu.memref_slice %arg14[%mul3A_40] : memref<6656xi32, #tpu.memory_space<vmem>> -> memref<104xi32, #tpu.memory_space<vmem>>
      %dma_wait3A_48 = arith.constant 0 : i32
      %dma_wait3A_49 = tpu.memref_slice %arg4[%dma_wait3A_48] : memref<2000000xf32, #tpu.memory_space<hbm>> -> memref<2000000xf32, #tpu.memory_space<hbm>>
      tpu.wait_indirect_dma semaphore(%arg22 : memref<!tpu.dma_semaphore, #tpu.memory_space<semaphore_mem>>) src(%dma_wait3A_49 : memref<2000000xf32, #tpu.memory_space<hbm>>) dst(%dma_wait3A_46 : memref<104xf32, #tpu.memory_space<vmem>>)
      %dma_wait3A_50 = tpu.memref_slice %arg19[%mul3A_40] : memref<13312xf32, #tpu.memory_space<vmem>> -> memref<104xf32, #tpu.memory_space<vmem>>
      %dma_wait3A_51 = tpu.memref_slice %arg15[%mul3A_40] : memref<6656xi32, #tpu.memory_space<vmem>> -> memref<104xi32, #tpu.memory_space<vmem>>
      %dma_wait3A_52 = arith.constant 0 : i32
      %dma_wait3A_53 = tpu.memref_slice %arg5[%dma_wait3A_52] : memref<2000000xf32, #tpu.memory_space<hbm>> -> memref<2000000xf32, #tpu.memory_space<hbm>>
      tpu.wait_indirect_dma semaphore(%arg22 : memref<!tpu.dma_semaphore, #tpu.memory_space<semaphore_mem>>) src(%dma_wait3A_53 : memref<2000000xf32, #tpu.memory_space<hbm>>) dst(%dma_wait3A_50 : memref<104xf32, #tpu.memory_space<vmem>>)
      %add3A_54 = arith.constant 6656 : i32
      %add3A_55 = arith.addi %add3A_54, %mul3A_40 : i32
      %dma_wait3A_56 = tpu.memref_slice %arg19[%add3A_55] : memref<13312xf32, #tpu.memory_space<vmem>> -> memref<104xf32, #tpu.memory_space<vmem>>
      %dma_wait3A_57 = tpu.memref_slice %arg15[%mul3A_40] : memref<6656xi32, #tpu.memory_space<vmem>> -> memref<104xi32, #tpu.memory_space<vmem>>
      %dma_wait3A_58 = arith.constant 0 : i32
      %dma_wait3A_59 = tpu.memref_slice %arg6[%dma_wait3A_58] : memref<2000000xf32, #tpu.memory_space<hbm>> -> memref<2000000xf32, #tpu.memory_space<hbm>>
      tpu.wait_indirect_dma semaphore(%arg22 : memref<!tpu.dma_semaphore, #tpu.memory_space<semaphore_mem>>) src(%dma_wait3A_59 : memref<2000000xf32, #tpu.memory_space<hbm>>) dst(%dma_wait3A_56 : memref<104xf32, #tpu.memory_space<vmem>>)
    }
    %scan3A_17 = arith.constant 64 : i32
    %scan3A_18 = arith.constant 0 : i32
    %scan3A_19 = arith.constant 32 : i32
    %scan3A_20 = arith.addi %scan3A_18, %scan3A_19 : i32
    %scan3A_21 = arith.constant 1 : i32
    scf.for %scan3A_38 = %scan3A_18 to %scan3A_20 step %scan3A_21  : i32 {
      %scan3A_39 = arith.constant 0 : i32
      %scan3A_40 = arith.constant 13 : i32
      %scan3A_41 = arith.addi %scan3A_39, %scan3A_40 : i32
      %scan3A_42 = arith.constant 1 : i32
      scf.for %scan3A_91 = %scan3A_39 to %scan3A_41 step %scan3A_42  : i32 {
        %mul3A_92 = arith.constant 208 : i32
        %mul3A_93 = arith.muli %scan3A_38, %mul3A_92 : i32
        %mul3A_94 = arith.constant 16 : i32
        %mul3A_95 = arith.muli %scan3A_91, %mul3A_94 : i32
        %add3A_96 = arith.addi %mul3A_93, %mul3A_95 : i32
        %add3A_97 = vector.broadcast %add3A_96 : i32 to vector<16xi32>
        %add3A_98 = arith.addi %add3A_97, %iota3A : vector<16xi32>
        %add3A_99 = arith.constant 0 : i32
        %add3A_100 = vector.broadcast %add3A_99 : i32 to vector<16xi32>
        %add3A_101 = arith.addi %add3A_98, %add3A_100 : vector<16xi32>
        %gather3A = tpu.vector_load_idx %arg18[%add3A_101] : memref<13312xf32, #tpu.memory_space<vmem>>[vector<16xi32>], vector<16xf32>,
        %add3A_102 = arith.constant 6656 : i32
        %add3A_103 = vector.broadcast %add3A_102 : i32 to vector<16xi32>
        %add3A_104 = arith.addi %add3A_98, %add3A_103 : vector<16xi32>
        %gather3A_105 = tpu.vector_load_idx %arg18[%add3A_104] : memref<13312xf32, #tpu.memory_space<vmem>>[vector<16xi32>], vector<16xf32>,
        %add3A_106 = arith.constant 0 : i32
        %add3A_107 = vector.broadcast %add3A_106 : i32 to vector<16xi32>
        %add3A_108 = arith.addi %add3A_98, %add3A_107 : vector<16xi32>
        %gather3A_109 = tpu.vector_load_idx %arg19[%add3A_108] : memref<13312xf32, #tpu.memory_space<vmem>>[vector<16xi32>], vector<16xf32>,
        %add3A_110 = arith.constant 6656 : i32
        %add3A_111 = vector.broadcast %add3A_110 : i32 to vector<16xi32>
        %add3A_112 = arith.addi %add3A_98, %add3A_111 : vector<16xi32>
        %gather3A_113 = tpu.vector_load_idx %arg19[%add3A_112] : memref<13312xf32, #tpu.memory_space<vmem>>[vector<16xi32>], vector<16xf32>,
        %bitcast_convert_type3A = tpu.bitcast %gather3A : vector<16xf32> -> vector<16xi32>
        %add3A_114 = arith.constant 32767 : i32
        %add3A_115 = vector.broadcast %add3A_114 : i32 to vector<16xi32>
        %add3A_116 = arith.addi %bitcast_convert_type3A, %add3A_115 : vector<16xi32>
        %shift_right_arithmetic3A = arith.constant 16 : i32
        %shift_right_arithmetic3A_117 = vector.broadcast %shift_right_arithmetic3A : i32 to vector<16xi32>
        %shift_right_arithmetic3A_118 = arith.shrsi %bitcast_convert_type3A, %shift_right_arithmetic3A_117 : vector<16xi32>
        %and3A = arith.constant 1 : i32
        %and3A_119 = vector.broadcast %and3A : i32 to vector<16xi32>
        %and3A_120 = arith.andi %shift_right_arithmetic3A_118, %and3A_119 : vector<16xi32>
        %add3A_121 = arith.addi %add3A_116, %and3A_120 : vector<16xi32>
        %and3A_122 = arith.constant -65536 : i32
        %and3A_123 = vector.broadcast %and3A_122 : i32 to vector<16xi32>
        %and3A_124 = arith.andi %add3A_121, %and3A_123 : vector<16xi32>
        %bitcast_convert_type3A_125 = tpu.bitcast %and3A_124 : vector<16xi32> -> vector<16xf32>
        %bitcast_convert_type3A_126 = tpu.bitcast %gather3A_105 : vector<16xf32> -> vector<16xi32>
        %add3A_127 = arith.constant 32767 : i32
        %add3A_128 = vector.broadcast %add3A_127 : i32 to vector<16xi32>
        %add3A_129 = arith.addi %bitcast_convert_type3A_126, %add3A_128 : vector<16xi32>
        %shift_right_arithmetic3A_130 = arith.constant 16 : i32
        %shift_right_arithmetic3A_131 = vector.broadcast %shift_right_arithmetic3A_130 : i32 to vector<16xi32>
        %shift_right_arithmetic3A_132 = arith.shrsi %bitcast_convert_type3A_126, %shift_right_arithmetic3A_131 : vector<16xi32>
        %and3A_133 = arith.constant 1 : i32
        %and3A_134 = vector.broadcast %and3A_133 : i32 to vector<16xi32>
        %and3A_135 = arith.andi %shift_right_arithmetic3A_132, %and3A_134 : vector<16xi32>
        %add3A_136 = arith.addi %add3A_129, %and3A_135 : vector<16xi32>
        %and3A_137 = arith.constant -65536 : i32
        %and3A_138 = vector.broadcast %and3A_137 : i32 to vector<16xi32>
        %and3A_139 = arith.andi %add3A_136, %and3A_138 : vector<16xi32>
        %bitcast_convert_type3A_140 = tpu.bitcast %and3A_139 : vector<16xi32> -> vector<16xf32>
        %bitcast_convert_type3A_141 = tpu.bitcast %gather3A_109 : vector<16xf32> -> vector<16xi32>
        %add3A_142 = arith.constant 32767 : i32
        %add3A_143 = vector.broadcast %add3A_142 : i32 to vector<16xi32>
        %add3A_144 = arith.addi %bitcast_convert_type3A_141, %add3A_143 : vector<16xi32>
        %shift_right_arithmetic3A_145 = arith.constant 16 : i32
        %shift_right_arithmetic3A_146 = vector.broadcast %shift_right_arithmetic3A_145 : i32 to vector<16xi32>
        %shift_right_arithmetic3A_147 = arith.shrsi %bitcast_convert_type3A_141, %shift_right_arithmetic3A_146 : vector<16xi32>
        %and3A_148 = arith.constant 1 : i32
        %and3A_149 = vector.broadcast %and3A_148 : i32 to vector<16xi32>
        %and3A_150 = arith.andi %shift_right_arithmetic3A_147, %and3A_149 : vector<16xi32>
        %add3A_151 = arith.addi %add3A_144, %and3A_150 : vector<16xi32>
        %and3A_152 = arith.constant -65536 : i32
        %and3A_153 = vector.broadcast %and3A_152 : i32 to vector<16xi32>
        %and3A_154 = arith.andi %add3A_151, %and3A_153 : vector<16xi32>
        %bitcast_convert_type3A_155 = tpu.bitcast %and3A_154 : vector<16xi32> -> vector<16xf32>
        %bitcast_convert_type3A_156 = tpu.bitcast %gather3A_113 : vector<16xf32> -> vector<16xi32>
        %add3A_157 = arith.constant 32767 : i32
        %add3A_158 = vector.broadcast %add3A_157 : i32 to vector<16xi32>
        %add3A_159 = arith.addi %bitcast_convert_type3A_156, %add3A_158 : vector<16xi32>
        %shift_right_arithmetic3A_160 = arith.constant 16 : i32
        %shift_right_arithmetic3A_161 = vector.broadcast %shift_right_arithmetic3A_160 : i32 to vector<16xi32>
        %shift_right_arithmetic3A_162 = arith.shrsi %bitcast_convert_type3A_156, %shift_right_arithmetic3A_161 : vector<16xi32>
        %and3A_163 = arith.constant 1 : i32
        %and3A_164 = vector.broadcast %and3A_163 : i32 to vector<16xi32>
        %and3A_165 = arith.andi %shift_right_arithmetic3A_162, %and3A_164 : vector<16xi32>
        %add3A_166 = arith.addi %add3A_159, %and3A_165 : vector<16xi32>
        %and3A_167 = arith.constant -65536 : i32
        %and3A_168 = vector.broadcast %and3A_167 : i32 to vector<16xi32>
        %and3A_169 = arith.andi %add3A_166, %and3A_168 : vector<16xi32>
        %bitcast_convert_type3A_170 = tpu.bitcast %and3A_169 : vector<16xi32> -> vector<16xf32>
        %get3A = arith.constant 0 : index
        %get3A_171 = tpu.vector_load %arg20[%get3A] {strides = array<i32>} : memref<512xf32, #tpu.memory_space<vmem>>, vector<16xf32>,
        %mul3A_172 = arith.mulf %bitcast_convert_type3A_125, %get3A_171 : vector<16xf32>
        %get3A_173 = arith.constant 16 : index
        %get3A_174 = tpu.vector_load %arg20[%get3A_173] {strides = array<i32>} : memref<512xf32, #tpu.memory_space<vmem>>, vector<16xf32>,
        %mul3A_175 = arith.mulf %bitcast_convert_type3A_140, %get3A_174 : vector<16xf32>
        %add3A_176 = arith.addf %mul3A_172, %mul3A_175 : vector<16xf32>
        %get3A_177 = arith.constant 32 : index
        %get3A_178 = tpu.vector_load %arg20[%get3A_177] {strides = array<i32>} : memref<512xf32, #tpu.memory_space<vmem>>, vector<16xf32>,
        %mul3A_179 = arith.mulf %bitcast_convert_type3A_155, %get3A_178 : vector<16xf32>
        %add3A_180 = arith.addf %add3A_176, %mul3A_179 : vector<16xf32>
        %get3A_181 = arith.constant 48 : index
        %get3A_182 = tpu.vector_load %arg20[%get3A_181] {strides = array<i32>} : memref<512xf32, #tpu.memory_space<vmem>>, vector<16xf32>,
        %mul3A_183 = arith.mulf %bitcast_convert_type3A_170, %get3A_182 : vector<16xf32>
        %add3A_184 = arith.addf %add3A_180, %mul3A_183 : vector<16xf32>
        %gt3A = arith.constant 0.000000e+00 : f32
        %gt3A_185 = vector.broadcast %gt3A : f32 to vector<16xf32>
        %gt3A_186 = arith.cmpf ogt, %add3A_184, %gt3A_185 : vector<16xf32>
        %convert_element_type3A = arith.extui %gt3A_186 : vector<16xi1> to vector<16xi32>
        %mul3A_187 = arith.constant 31153 : i32
        %mul3A_188 = vector.broadcast %mul3A_187 : i32 to vector<16xi32>
        %mul3A_189 = arith.muli %convert_element_type3A, %mul3A_188 : vector<16xi32>
        %xor3A = arith.xori %broadcast_in_dim3A_7, %mul3A_189 : vector<16xi32>
        %mul3A_190 = arith.constant 40503 : i32
        %mul3A_191 = vector.broadcast %mul3A_190 : i32 to vector<16xi32>
        %mul3A_192 = arith.muli %convert_element_type3A, %mul3A_191 : vector<16xi32>
        %xor3A_193 = arith.xori %broadcast_in_dim3A_7, %mul3A_192 : vector<16xi32>
        %get3A_194 = arith.constant 64 : index
        %get3A_195 = tpu.vector_load %arg20[%get3A_194] {strides = array<i32>} : memref<512xf32, #tpu.memory_space<vmem>>, vector<16xf32>,
        %mul3A_196 = arith.mulf %bitcast_convert_type3A_125, %get3A_195 : vector<16xf32>
        %get3A_197 = arith.constant 80 : index
        %get3A_198 = tpu.vector_load %arg20[%get3A_197] {strides = array<i32>} : memref<512xf32, #tpu.memory_space<vmem>>, vector<16xf32>,
        %mul3A_199 = arith.mulf %bitcast_convert_type3A_140, %get3A_198 : vector<16xf32>
        %add3A_200 = arith.addf %mul3A_196, %mul3A_199 : vector<16xf32>
        %get3A_201 = arith.constant 96 : index
        %get3A_202 = tpu.vector_load %arg20[%get3A_201] {strides = array<i32>} : memref<512xf32, #tpu.memory_space<vmem>>, vector<16xf32>,
        %mul3A_203 = arith.mulf %bitcast_convert_type3A_155, %get3A_202 : vector<16xf32>
        %add3A_204 = arith.addf %add3A_200, %mul3A_203 : vector<16xf32>
        %get3A_205 = arith.constant 112 : index
        %get3A_206 = tpu.vector_load %arg20[%get3A_205] {strides = array<i32>} : memref<512xf32, #tpu.memory_space<vmem>>, vector<16xf32>,
        %mul3A_207 = arith.mulf %bitcast_convert_type3A_170, %get3A_206 : vector<16xf32>
        %add3A_208 = arith.addf %add3A_204, %mul3A_207 : vector<16xf32>
        %gt3A_209 = arith.constant 0.000000e+00 : f32
        %gt3A_210 = vector.broadcast %gt3A_209 : f32 to vector<16xf32>
        %gt3A_211 = arith.cmpf ogt, %add3A_208, %gt3A_210 : vector<16xf32>
        %convert_element_type3A_212 = arith.extui %gt3A_211 : vector<16xi1> to vector<16xi32>
        %mul3A_213 = arith.constant 51831 : i32
        %mul3A_214 = vector.broadcast %mul3A_213 : i32 to vector<16xi32>
        %mul3A_215 = arith.muli %convert_element_type3A_212, %mul3A_214 : vector<16xi32>
        %xor3A_216 = arith.xori %xor3A, %mul3A_215 : vector<16xi32>
        %mul3A_217 = arith.constant 34283 : i32
        %mul3A_218 = vector.broadcast %mul3A_217 : i32 to vector<16xi32>
        %mul3A_219 = arith.muli %convert_element_type3A_212, %mul3A_218 : vector<16xi32>
        %xor3A_220 = arith.xori %xor3A_193, %mul3A_219 : vector<16xi32>
        %get3A_221 = arith.constant 128 : index
        %get3A_222 = tpu.vector_load %arg20[%get3A_221] {strides = array<i32>} : memref<512xf32, #tpu.memory_space<vmem>>, vector<16xf32>,
        %mul3A_223 = arith.mulf %bitcast_convert_type3A_125, %get3A_222 : vector<16xf32>
        %get3A_224 = arith.constant 144 : index
        %get3A_225 = tpu.vector_load %arg20[%get3A_224] {strides = array<i32>} : memref<512xf32, #tpu.memory_space<vmem>>, vector<16xf32>,
        %mul3A_226 = arith.mulf %bitcast_convert_type3A_140, %get3A_225 : vector<16xf32>
        %add3A_227 = arith.addf %mul3A_223, %mul3A_226 : vector<16xf32>
        %get3A_228 = arith.constant 160 : index
        %get3A_229 = tpu.vector_load %arg20[%get3A_228] {strides = array<i32>} : memref<512xf32, #tpu.memory_space<vmem>>, vector<16xf32>,
        %mul3A_230 = arith.mulf %bitcast_convert_type3A_155, %get3A_229 : vector<16xf32>
        %add3A_231 = arith.addf %add3A_227, %mul3A_230 : vector<16xf32>
        %get3A_232 = arith.constant 176 : index
        %get3A_233 = tpu.vector_load %arg20[%get3A_232] {strides = array<i32>} : memref<512xf32, #tpu.memory_space<vmem>>, vector<16xf32>,
        %mul3A_234 = arith.mulf %bitcast_convert_type3A_170, %get3A_233 : vector<16xf32>
        %add3A_235 = arith.addf %add3A_231, %mul3A_234 : vector<16xf32>
        %gt3A_236 = arith.constant 0.000000e+00 : f32
        %gt3A_237 = vector.broadcast %gt3A_236 : f32 to vector<16xf32>
        %gt3A_238 = arith.cmpf ogt, %add3A_235, %gt3A_237 : vector<16xf32>
        %convert_element_type3A_239 = arith.extui %gt3A_238 : vector<16xi1> to vector<16xi32>
        %mul3A_240 = arith.constant 44605 : i32
        %mul3A_241 = vector.broadcast %mul3A_240 : i32 to vector<16xi32>
        %mul3A_242 = arith.muli %convert_element_type3A_239, %mul3A_241 : vector<16xi32>
        %xor3A_243 = arith.xori %xor3A_216, %mul3A_242 : vector<16xi32>
        %mul3A_244 = arith.constant 49842 : i32
        %mul3A_245 = vector.broadcast %mul3A_244 : i32 to vector<16xi32>
        %mul3A_246 = arith.muli %convert_element_type3A_239, %mul3A_245 : vector<16xi32>
        %xor3A_247 = arith.xori %xor3A_220, %mul3A_246 : vector<16xi32>
        %get3A_248 = arith.constant 192 : index
        %get3A_249 = tpu.vector_load %arg20[%get3A_248] {strides = array<i32>} : memref<512xf32, #tpu.memory_space<vmem>>, vector<16xf32>,
        %mul3A_250 = arith.mulf %bitcast_convert_type3A_125, %get3A_249 : vector<16xf32>
        %get3A_251 = arith.constant 208 : index
        %get3A_252 = tpu.vector_load %arg20[%get3A_251] {strides = array<i32>} : memref<512xf32, #tpu.memory_space<vmem>>, vector<16xf32>,
        %mul3A_253 = arith.mulf %bitcast_convert_type3A_140, %get3A_252 : vector<16xf32>
        %add3A_254 = arith.addf %mul3A_250, %mul3A_253 : vector<16xf32>
        %get3A_255 = arith.constant 224 : index
        %get3A_256 = tpu.vector_load %arg20[%get3A_255] {strides = array<i32>} : memref<512xf32, #tpu.memory_space<vmem>>, vector<16xf32>,
        %mul3A_257 = arith.mulf %bitcast_convert_type3A_155, %get3A_256 : vector<16xf32>
        %add3A_258 = arith.addf %add3A_254, %mul3A_257 : vector<16xf32>
        %get3A_259 = arith.constant 240 : index
        %get3A_260 = tpu.vector_load %arg20[%get3A_259] {strides = array<i32>} : memref<512xf32, #tpu.memory_space<vmem>>, vector<16xf32>,
        %mul3A_261 = arith.mulf %bitcast_convert_type3A_170, %get3A_260 : vector<16xf32>
        %add3A_262 = arith.addf %add3A_258, %mul3A_261 : vector<16xf32>
        %gt3A_263 = arith.constant 0.000000e+00 : f32
        %gt3A_264 = vector.broadcast %gt3A_263 : f32 to vector<16xf32>
        %gt3A_265 = arith.cmpf ogt, %add3A_262, %gt3A_264 : vector<16xf32>
        %convert_element_type3A_266 = arith.extui %gt3A_265 : vector<16xi1> to vector<16xi32>
        %mul3A_267 = arith.constant 35921 : i32
        %mul3A_268 = vector.broadcast %mul3A_267 : i32 to vector<16xi32>
        %mul3A_269 = arith.muli %convert_element_type3A_266, %mul3A_268 : vector<16xi32>
        %xor3A_270 = arith.xori %xor3A_243, %mul3A_269 : vector<16xi32>
        %mul3A_271 = arith.constant 30947 : i32
        %mul3A_272 = vector.broadcast %mul3A_271 : i32 to vector<16xi32>
        %mul3A_273 = arith.muli %convert_element_type3A_266, %mul3A_272 : vector<16xi32>
        %xor3A_274 = arith.xori %xor3A_247, %mul3A_273 : vector<16xi32>
        %get3A_275 = arith.constant 256 : index
        %get3A_276 = tpu.vector_load %arg20[%get3A_275] {strides = array<i32>} : memref<512xf32, #tpu.memory_space<vmem>>, vector<16xf32>,
        %mul3A_277 = arith.mulf %bitcast_convert_type3A_125, %get3A_276 : vector<16xf32>
        %get3A_278 = arith.constant 272 : index
        %get3A_279 = tpu.vector_load %arg20[%get3A_278] {strides = array<i32>} : memref<512xf32, #tpu.memory_space<vmem>>, vector<16xf32>,
        %mul3A_280 = arith.mulf %bitcast_convert_type3A_140, %get3A_279 : vector<16xf32>
        %add3A_281 = arith.addf %mul3A_277, %mul3A_280 : vector<16xf32>
        %get3A_282 = arith.constant 288 : index
        %get3A_283 = tpu.vector_load %arg20[%get3A_282] {strides = array<i32>} : memref<512xf32, #tpu.memory_space<vmem>>, vector<16xf32>,
        %mul3A_284 = arith.mulf %bitcast_convert_type3A_155, %get3A_283 : vector<16xf32>
        %add3A_285 = arith.addf %add3A_281, %mul3A_284 : vector<16xf32>
        %get3A_286 = arith.constant 304 : index
        %get3A_287 = tpu.vector_load %arg20[%get3A_286] {strides = array<i32>} : memref<512xf32, #tpu.memory_space<vmem>>, vector<16xf32>,
        %mul3A_288 = arith.mulf %bitcast_convert_type3A_170, %get3A_287 : vector<16xf32>
        %add3A_289 = arith.addf %add3A_285, %mul3A_288 : vector<16xf32>
        %gt3A_290 = arith.constant 0.000000e+00 : f32
        %gt3A_291 = vector.broadcast %gt3A_290 : f32 to vector<16xf32>
        %gt3A_292 = arith.cmpf ogt, %add3A_289, %gt3A_291 : vector<16xf32>
        %convert_element_type3A_293 = arith.extui %gt3A_292 : vector<16xi1> to vector<16xi32>
        %mul3A_294 = arith.constant 29589 : i32
        %mul3A_295 = vector.broadcast %mul3A_294 : i32 to vector<16xi32>
        %mul3A_296 = arith.muli %convert_element_type3A_293, %mul3A_295 : vector<16xi32>
        %xor3A_297 = arith.xori %xor3A_270, %mul3A_296 : vector<16xi32>
        %mul3A_298 = arith.constant 18626 : i32
        %mul3A_299 = vector.broadcast %mul3A_298 : i32 to vector<16xi32>
        %mul3A_300 = arith.muli %convert_element_type3A_293, %mul3A_299 : vector<16xi32>
        %xor3A_301 = arith.xori %xor3A_274, %mul3A_300 : vector<16xi32>
        %get3A_302 = arith.constant 320 : index
        %get3A_303 = tpu.vector_load %arg20[%get3A_302] {strides = array<i32>} : memref<512xf32, #tpu.memory_space<vmem>>, vector<16xf32>,
        %mul3A_304 = arith.mulf %bitcast_convert_type3A_125, %get3A_303 : vector<16xf32>
        %get3A_305 = arith.constant 336 : index
        %get3A_306 = tpu.vector_load %arg20[%get3A_305] {strides = array<i32>} : memref<512xf32, #tpu.memory_space<vmem>>, vector<16xf32>,
        %mul3A_307 = arith.mulf %bitcast_convert_type3A_140, %get3A_306 : vector<16xf32>
        %add3A_308 = arith.addf %mul3A_304, %mul3A_307 : vector<16xf32>
        %get3A_309 = arith.constant 352 : index
        %get3A_310 = tpu.vector_load %arg20[%get3A_309] {strides = array<i32>} : memref<512xf32, #tpu.memory_space<vmem>>, vector<16xf32>,
        %mul3A_311 = arith.mulf %bitcast_convert_type3A_155, %get3A_310 : vector<16xf32>
        %add3A_312 = arith.addf %add3A_308, %mul3A_311 : vector<16xf32>
        %get3A_313 = arith.constant 368 : index
        %get3A_314 = tpu.vector_load %arg20[%get3A_313] {strides = array<i32>} : memref<512xf32, #tpu.memory_space<vmem>>, vector<16xf32>,
        %mul3A_315 = arith.mulf %bitcast_convert_type3A_170, %get3A_314 : vector<16xf32>
        %add3A_316 = arith.addf %add3A_312, %mul3A_315 : vector<16xf32>
        %gt3A_317 = arith.constant 0.000000e+00 : f32
        %gt3A_318 = vector.broadcast %gt3A_317 : f32 to vector<16xf32>
        %gt3A_319 = arith.cmpf ogt, %add3A_316, %gt3A_318 : vector<16xf32>
        %convert_element_type3A_320 = arith.extui %gt3A_319 : vector<16xi1> to vector<16xi32>
        %mul3A_321 = arith.constant 5 : i32
        %mul3A_322 = vector.broadcast %mul3A_321 : i32 to vector<16xi32>
        %mul3A_323 = arith.muli %convert_element_type3A_320, %mul3A_322 : vector<16xi32>
        %xor3A_324 = arith.xori %xor3A_297, %mul3A_323 : vector<16xi32>
        %mul3A_325 = arith.constant 24576 : i32
        %mul3A_326 = vector.broadcast %mul3A_325 : i32 to vector<16xi32>
        %mul3A_327 = arith.muli %convert_element_type3A_320, %mul3A_326 : vector<16xi32>
        %xor3A_328 = arith.xori %xor3A_301, %mul3A_327 : vector<16xi32>
        %get3A_329 = arith.constant 384 : index
        %get3A_330 = tpu.vector_load %arg20[%get3A_329] {strides = array<i32>} : memref<512xf32, #tpu.memory_space<vmem>>, vector<16xf32>,
        %mul3A_331 = arith.mulf %bitcast_convert_type3A_125, %get3A_330 : vector<16xf32>
        %get3A_332 = arith.constant 400 : index
        %get3A_333 = tpu.vector_load %arg20[%get3A_332] {strides = array<i32>} : memref<512xf32, #tpu.memory_space<vmem>>, vector<16xf32>,
        %mul3A_334 = arith.mulf %bitcast_convert_type3A_140, %get3A_333 : vector<16xf32>
        %add3A_335 = arith.addf %mul3A_331, %mul3A_334 : vector<16xf32>
        %get3A_336 = arith.constant 416 : index
        %get3A_337 = tpu.vector_load %arg20[%get3A_336] {strides = array<i32>} : memref<512xf32, #tpu.memory_space<vmem>>, vector<16xf32>,
        %mul3A_338 = arith.mulf %bitcast_convert_type3A_155, %get3A_337 : vector<16xf32>
        %add3A_339 = arith.addf %add3A_335, %mul3A_338 : vector<16xf32>
        %get3A_340 = arith.constant 432 : index
        %get3A_341 = tpu.vector_load %arg20[%get3A_340] {strides = array<i32>} : memref<512xf32, #tpu.memory_space<vmem>>, vector<16xf32>,
        %mul3A_342 = arith.mulf %bitcast_convert_type3A_170, %get3A_341 : vector<16xf32>
        %add3A_343 = arith.addf %add3A_339, %mul3A_342 : vector<16xf32>
        %gt3A_344 = arith.constant 0.000000e+00 : f32
        %gt3A_345 = vector.broadcast %gt3A_344 : f32 to vector<16xf32>
        %gt3A_346 = arith.cmpf ogt, %add3A_343, %gt3A_345 : vector<16xf32>
        %convert_element_type3A_347 = arith.extui %gt3A_346 : vector<16xi1> to vector<16xi32>
        %mul3A_348 = arith.constant 89 : i32
        %mul3A_349 = vector.broadcast %mul3A_348 : i32 to vector<16xi32>
        %mul3A_350 = arith.muli %convert_element_type3A_347, %mul3A_349 : vector<16xi32>
        %xor3A_351 = arith.xori %xor3A_324, %mul3A_350 : vector<16xi32>
        %mul3A_352 = arith.constant 12288 : i32
        %mul3A_353 = vector.broadcast %mul3A_352 : i32 to vector<16xi32>
        %mul3A_354 = arith.muli %convert_element_type3A_347, %mul3A_353 : vector<16xi32>
        %xor3A_355 = arith.xori %xor3A_328, %mul3A_354 : vector<16xi32>
        %get3A_356 = arith.constant 448 : index
        %get3A_357 = tpu.vector_load %arg20[%get3A_356] {strides = array<i32>} : memref<512xf32, #tpu.memory_space<vmem>>, vector<16xf32>,
        %mul3A_358 = arith.mulf %bitcast_convert_type3A_125, %get3A_357 : vector<16xf32>
        %get3A_359 = arith.constant 464 : index
        %get3A_360 = tpu.vector_load %arg20[%get3A_359] {strides = array<i32>} : memref<512xf32, #tpu.memory_space<vmem>>, vector<16xf32>,
        %mul3A_361 = arith.mulf %bitcast_convert_type3A_140, %get3A_360 : vector<16xf32>
        %add3A_362 = arith.addf %mul3A_358, %mul3A_361 : vector<16xf32>
        %get3A_363 = arith.constant 480 : index
        %get3A_364 = tpu.vector_load %arg20[%get3A_363] {strides = array<i32>} : memref<512xf32, #tpu.memory_space<vmem>>, vector<16xf32>,
        %mul3A_365 = arith.mulf %bitcast_convert_type3A_155, %get3A_364 : vector<16xf32>
        %add3A_366 = arith.addf %add3A_362, %mul3A_365 : vector<16xf32>
        %get3A_367 = arith.constant 496 : index
        %get3A_368 = tpu.vector_load %arg20[%get3A_367] {strides = array<i32>} : memref<512xf32, #tpu.memory_space<vmem>>, vector<16xf32>,
        %mul3A_369 = arith.mulf %bitcast_convert_type3A_170, %get3A_368 : vector<16xf32>
        %add3A_370 = arith.addf %add3A_366, %mul3A_369 : vector<16xf32>
        %gt3A_371 = arith.constant 0.000000e+00 : f32
        %gt3A_372 = vector.broadcast %gt3A_371 : f32 to vector<16xf32>
        %gt3A_373 = arith.cmpf ogt, %add3A_370, %gt3A_372 : vector<16xf32>
        %convert_element_type3A_374 = arith.extui %gt3A_373 : vector<16xi1> to vector<16xi32>
        %mul3A_375 = arith.constant 5 : i32
        %mul3A_376 = vector.broadcast %mul3A_375 : i32 to vector<16xi32>
        %mul3A_377 = arith.muli %convert_element_type3A_374, %mul3A_376 : vector<16xi32>
        %xor3A_378 = arith.xori %xor3A_351, %mul3A_377 : vector<16xi32>
        %mul3A_379 = arith.constant 6144 : i32
        %mul3A_380 = vector.broadcast %mul3A_379 : i32 to vector<16xi32>
        %mul3A_381 = arith.muli %convert_element_type3A_374, %mul3A_380 : vector<16xi32>
        %xor3A_382 = arith.xori %xor3A_355, %mul3A_381 : vector<16xi32>
        %get3A_383 = arith.index_cast %add3A_96 : i32 to index
        %get3A_384 = tpu.vector_load %arg16[%get3A_383] {strides = array<i32>} : memref<6656xi32, #tpu.memory_space<vmem>>, vector<16xi32>,
        %and3A_385 = arith.constant 65535 : i32
        %and3A_386 = vector.broadcast %and3A_385 : i32 to vector<16xi32>
        %and3A_387 = arith.andi %get3A_384, %and3A_386 : vector<16xi32>
        %xor3A_388 = arith.xori %and3A_387, %xor3A_378 : vector<16xi32>
        %shift_right_arithmetic3A_389 = arith.constant 16 : i32
        %shift_right_arithmetic3A_390 = vector.broadcast %shift_right_arithmetic3A_389 : i32 to vector<16xi32>
        %shift_right_arithmetic3A_391 = arith.shrsi %get3A_384, %shift_right_arithmetic3A_390 : vector<16xi32>
        %xor3A_392 = arith.xori %shift_right_arithmetic3A_391, %xor3A_382 : vector<16xi32>
        %shift_right_arithmetic3A_393 = arith.constant 8 : i32
        %shift_right_arithmetic3A_394 = vector.broadcast %shift_right_arithmetic3A_393 : i32 to vector<16xi32>
        %shift_right_arithmetic3A_395 = arith.shrsi %xor3A_392, %shift_right_arithmetic3A_394 : vector<16xi32>
        %mul3A_396 = arith.constant 777216 : i32
        %mul3A_397 = vector.broadcast %mul3A_396 : i32 to vector<16xi32>
        %mul3A_398 = arith.muli %shift_right_arithmetic3A_395, %mul3A_397 : vector<16xi32>
        %and3A_399 = arith.constant 255 : i32
        %and3A_400 = vector.broadcast %and3A_399 : i32 to vector<16xi32>
        %and3A_401 = arith.andi %xor3A_392, %and3A_400 : vector<16xi32>
        %mul3A_402 = arith.constant 65536 : i32
        %mul3A_403 = vector.broadcast %mul3A_402 : i32 to vector<16xi32>
        %mul3A_404 = arith.muli %and3A_401, %mul3A_403 : vector<16xi32>
        %add3A_405 = arith.addi %mul3A_398, %mul3A_404 : vector<16xi32>
        %add3A_406 = arith.addi %add3A_405, %xor3A_388 : vector<16xi32>
        %convert_element_type3A_407 = arith.sitofp %add3A_406 : vector<16xi32> to vector<16xf32>
        %mul3A_408 = arith.constant 5.000000e-07 : f32
        %mul3A_409 = vector.broadcast %mul3A_408 : f32 to vector<16xf32>
        %mul3A_410 = arith.mulf %convert_element_type3A_407, %mul3A_409 : vector<16xf32>
        %convert_element_type3A_411 = arith.fptosi %mul3A_410 : vector<16xf32> to vector<16xi32>
        %mul3A_412 = arith.constant 2000000 : i32
        %mul3A_413 = vector.broadcast %mul3A_412 : i32 to vector<16xi32>
        %mul3A_414 = arith.muli %convert_element_type3A_411, %mul3A_413 : vector<16xi32>
        %sub3A = arith.subi %add3A_406, %mul3A_414 : vector<16xi32>
        %lt3A = arith.constant 0 : i32
        %lt3A_415 = vector.broadcast %lt3A : i32 to vector<16xi32>
        %lt3A_416 = arith.cmpi slt, %sub3A, %lt3A_415 : vector<16xi32>
        %add3A_417 = arith.constant 2000000 : i32
        %add3A_418 = vector.broadcast %add3A_417 : i32 to vector<16xi32>
        %add3A_419 = arith.addi %sub3A, %add3A_418 : vector<16xi32>
        %select_n3A = arith.select %lt3A_416, %add3A_419, %sub3A : vector<16xi1>, vector<16xi32>
        %ge3A = arith.constant 2000000 : i32
        %ge3A_420 = vector.broadcast %ge3A : i32 to vector<16xi32>
        %ge3A_421 = arith.cmpi sge, %select_n3A, %ge3A_420 : vector<16xi32>
        %sub3A_422 = arith.constant 2000000 : i32
        %sub3A_423 = vector.broadcast %sub3A_422 : i32 to vector<16xi32>
        %sub3A_424 = arith.subi %select_n3A, %sub3A_423 : vector<16xi32>
        %select_n3A_425 = arith.select %ge3A_421, %sub3A_424, %select_n3A : vector<16xi1>, vector<16xi32>
        %swap3A = arith.index_cast %add3A_96 : i32 to index
        %swap3A_426 = tpu.vector_load %arg16[%swap3A] {strides = array<i32>} : memref<6656xi32, #tpu.memory_space<vmem>>, vector<16xi32>,
        tpu.vector_store %arg16[%swap3A], %select_n3A_425 {strides = array<i32>} : memref<6656xi32, #tpu.memory_space<vmem>>, vector<16xi32>,
        %get3A_427 = arith.index_cast %add3A_96 : i32 to index
        %get3A_428 = tpu.vector_load %arg17[%get3A_427] {strides = array<i32>} : memref<6656xi32, #tpu.memory_space<vmem>>, vector<16xi32>,
        %and3A_429 = arith.constant 65535 : i32
        %and3A_430 = vector.broadcast %and3A_429 : i32 to vector<16xi32>
        %and3A_431 = arith.andi %get3A_428, %and3A_430 : vector<16xi32>
        %xor3A_432 = arith.xori %and3A_431, %xor3A_378 : vector<16xi32>
        %shift_right_arithmetic3A_433 = arith.constant 16 : i32
        %shift_right_arithmetic3A_434 = vector.broadcast %shift_right_arithmetic3A_433 : i32 to vector<16xi32>
        %shift_right_arithmetic3A_435 = arith.shrsi %get3A_428, %shift_right_arithmetic3A_434 : vector<16xi32>
        %xor3A_436 = arith.xori %shift_right_arithmetic3A_435, %xor3A_382 : vector<16xi32>
        %shift_right_arithmetic3A_437 = arith.constant 8 : i32
        %shift_right_arithmetic3A_438 = vector.broadcast %shift_right_arithmetic3A_437 : i32 to vector<16xi32>
        %shift_right_arithmetic3A_439 = arith.shrsi %xor3A_436, %shift_right_arithmetic3A_438 : vector<16xi32>
        %mul3A_440 = arith.constant 777216 : i32
        %mul3A_441 = vector.broadcast %mul3A_440 : i32 to vector<16xi32>
        %mul3A_442 = arith.muli %shift_right_arithmetic3A_439, %mul3A_441 : vector<16xi32>
        %and3A_443 = arith.constant 255 : i32
        %and3A_444 = vector.broadcast %and3A_443 : i32 to vector<16xi32>
        %and3A_445 = arith.andi %xor3A_436, %and3A_444 : vector<16xi32>
        %mul3A_446 = arith.constant 65536 : i32
        %mul3A_447 = vector.broadcast %mul3A_446 : i32 to vector<16xi32>
        %mul3A_448 = arith.muli %and3A_445, %mul3A_447 : vector<16xi32>
        %add3A_449 = arith.addi %mul3A_442, %mul3A_448 : vector<16xi32>
        %add3A_450 = arith.addi %add3A_449, %xor3A_432 : vector<16xi32>
        %convert_element_type3A_451 = arith.sitofp %add3A_450 : vector<16xi32> to vector<16xf32>
        %mul3A_452 = arith.constant 5.000000e-07 : f32
        %mul3A_453 = vector.broadcast %mul3A_452 : f32 to vector<16xf32>
        %mul3A_454 = arith.mulf %convert_element_type3A_451, %mul3A_453 : vector<16xf32>
        %convert_element_type3A_455 = arith.fptosi %mul3A_454 : vector<16xf32> to vector<16xi32>
        %mul3A_456 = arith.constant 2000000 : i32
        %mul3A_457 = vector.broadcast %mul3A_456 : i32 to vector<16xi32>
        %mul3A_458 = arith.muli %convert_element_type3A_455, %mul3A_457 : vector<16xi32>
        %sub3A_459 = arith.subi %add3A_450, %mul3A_458 : vector<16xi32>
        %lt3A_460 = arith.constant 0 : i32
        %lt3A_461 = vector.broadcast %lt3A_460 : i32 to vector<16xi32>
        %lt3A_462 = arith.cmpi slt, %sub3A_459, %lt3A_461 : vector<16xi32>
        %add3A_463 = arith.constant 2000000 : i32
        %add3A_464 = vector.broadcast %add3A_463 : i32 to vector<16xi32>
        %add3A_465 = arith.addi %sub3A_459, %add3A_464 : vector<16xi32>
        %select_n3A_466 = arith.select %lt3A_462, %add3A_465, %sub3A_459 : vector<16xi1>, vector<16xi32>
        %ge3A_467 = arith.constant 2000000 : i32
        %ge3A_468 = vector.broadcast %ge3A_467 : i32 to vector<16xi32>
        %ge3A_469 = arith.cmpi sge, %select_n3A_466, %ge3A_468 : vector<16xi32>
        %sub3A_470 = arith.constant 2000000 : i32
        %sub3A_471 = vector.broadcast %sub3A_470 : i32 to vector<16xi32>
        %sub3A_472 = arith.subi %select_n3A_466, %sub3A_471 : vector<16xi32>
        %select_n3A_473 = arith.select %ge3A_469, %sub3A_472, %select_n3A_466 : vector<16xi1>, vector<16xi32>
        %swap3A_474 = arith.index_cast %add3A_96 : i32 to index
        %swap3A_475 = tpu.vector_load %arg17[%swap3A_474] {strides = array<i32>} : memref<6656xi32, #tpu.memory_space<vmem>>, vector<16xi32>,
        tpu.vector_store %arg17[%swap3A_474], %select_n3A_473 {strides = array<i32>} : memref<6656xi32, #tpu.memory_space<vmem>>, vector<16xi32>,
        %mul3A_476 = arith.constant 8 : i32
        %mul3A_477 = vector.broadcast %mul3A_476 : i32 to vector<16xi32>
        %mul3A_478 = arith.muli %add3A_98, %mul3A_477 : vector<16xi32>
        %add3A_479 = arith.constant 0 : i32
        %add3A_480 = vector.broadcast %add3A_479 : i32 to vector<16xi32>
        %add3A_481 = arith.addi %mul3A_478, %add3A_480 : vector<16xi32>
        tpu.vector_store_idx %arg21[%add3A_481], %gather3A : memref<53248xf32, #tpu.memory_space<vmem>>[vector<16xi32>], vector<16xf32>,
        %add3A_482 = arith.constant 2 : i32
        %add3A_483 = vector.broadcast %add3A_482 : i32 to vector<16xi32>
        %add3A_484 = arith.addi %mul3A_478, %add3A_483 : vector<16xi32>
        tpu.vector_store_idx %arg21[%add3A_484], %gather3A_109 : memref<53248xf32, #tpu.memory_space<vmem>>[vector<16xi32>], vector<16xf32>,
        %add3A_485 = arith.constant 1 : i32
        %add3A_486 = vector.broadcast %add3A_485 : i32 to vector<16xi32>
        %add3A_487 = arith.addi %mul3A_478, %add3A_486 : vector<16xi32>
        tpu.vector_store_idx %arg21[%add3A_487], %gather3A_105 : memref<53248xf32, #tpu.memory_space<vmem>>[vector<16xi32>], vector<16xf32>,
        %add3A_488 = arith.constant 3 : i32
        %add3A_489 = vector.broadcast %add3A_488 : i32 to vector<16xi32>
        %add3A_490 = arith.addi %mul3A_478, %add3A_489 : vector<16xi32>
        tpu.vector_store_idx %arg21[%add3A_490], %gather3A_113 : memref<53248xf32, #tpu.memory_space<vmem>>[vector<16xi32>], vector<16xf32>,
      }
      %scan3A_43 = arith.constant 13 : i32
      %mul3A_44 = arith.constant 208 : i32
      %mul3A_45 = arith.muli %scan3A_38, %mul3A_44 : i32
      %add3A_46 = arith.constant 0 : i32
      %add3A_47 = arith.addi %mul3A_45, %add3A_46 : i32
      %dma_start3A = tpu.memref_slice %arg18[%add3A_47] : memref<13312xf32, #tpu.memory_space<vmem>> -> memref<104xf32, #tpu.memory_space<vmem>>
      %dma_start3A_48 = tpu.memref_slice %arg16[%add3A_47] : memref<6656xi32, #tpu.memory_space<vmem>> -> memref<104xi32, #tpu.memory_space<vmem>>
      %dma_start3A_49 = arith.constant 0 : i32
      %dma_start3A_50 = tpu.memref_slice %arg7[%dma_start3A_49] : memref<2000000xf32, #tpu.memory_space<hbm>> -> memref<2000000xf32, #tpu.memory_space<hbm>>
      tpu.enqueue_indirect_dma source(%dma_start3A_50 : memref<2000000xf32, #tpu.memory_space<hbm>>) target(%dma_start3A : memref<104xf32, #tpu.memory_space<vmem>>) offsets(%dma_start3A_48 : memref<104xi32, #tpu.memory_space<vmem>>) semaphore(%arg22 : memref<!tpu.dma_semaphore, #tpu.memory_space<semaphore_mem>>)
      %add3A_51 = arith.constant 6656 : i32
      %add3A_52 = arith.addi %add3A_51, %add3A_47 : i32
      %dma_start3A_53 = tpu.memref_slice %arg18[%add3A_52] : memref<13312xf32, #tpu.memory_space<vmem>> -> memref<104xf32, #tpu.memory_space<vmem>>
      %dma_start3A_54 = tpu.memref_slice %arg16[%add3A_47] : memref<6656xi32, #tpu.memory_space<vmem>> -> memref<104xi32, #tpu.memory_space<vmem>>
      %dma_start3A_55 = arith.constant 0 : i32
      %dma_start3A_56 = tpu.memref_slice %arg8[%dma_start3A_55] : memref<2000000xf32, #tpu.memory_space<hbm>> -> memref<2000000xf32, #tpu.memory_space<hbm>>
      tpu.enqueue_indirect_dma source(%dma_start3A_56 : memref<2000000xf32, #tpu.memory_space<hbm>>) target(%dma_start3A_53 : memref<104xf32, #tpu.memory_space<vmem>>) offsets(%dma_start3A_54 : memref<104xi32, #tpu.memory_space<vmem>>) semaphore(%arg22 : memref<!tpu.dma_semaphore, #tpu.memory_space<semaphore_mem>>)
      %dma_start3A_57 = tpu.memref_slice %arg19[%add3A_47] : memref<13312xf32, #tpu.memory_space<vmem>> -> memref<104xf32, #tpu.memory_space<vmem>>
      %dma_start3A_58 = tpu.memref_slice %arg17[%add3A_47] : memref<6656xi32, #tpu.memory_space<vmem>> -> memref<104xi32, #tpu.memory_space<vmem>>
      %dma_start3A_59 = arith.constant 0 : i32
      %dma_start3A_60 = tpu.memref_slice %arg9[%dma_start3A_59] : memref<2000000xf32, #tpu.memory_space<hbm>> -> memref<2000000xf32, #tpu.memory_space<hbm>>
      tpu.enqueue_indirect_dma source(%dma_start3A_60 : memref<2000000xf32, #tpu.memory_space<hbm>>) target(%dma_start3A_57 : memref<104xf32, #tpu.memory_space<vmem>>) offsets(%dma_start3A_58 : memref<104xi32, #tpu.memory_space<vmem>>) semaphore(%arg22 : memref<!tpu.dma_semaphore, #tpu.memory_space<semaphore_mem>>)
      %add3A_61 = arith.constant 6656 : i32
      %add3A_62 = arith.addi %add3A_61, %add3A_47 : i32
      %dma_start3A_63 = tpu.memref_slice %arg19[%add3A_62] : memref<13312xf32, #tpu.memory_space<vmem>> -> memref<104xf32, #tpu.memory_space<vmem>>
      %dma_start3A_64 = tpu.memref_slice %arg17[%add3A_47] : memref<6656xi32, #tpu.memory_space<vmem>> -> memref<104xi32, #tpu.memory_space<vmem>>
      %dma_start3A_65 = arith.constant 0 : i32
      %dma_start3A_66 = tpu.memref_slice %arg10[%dma_start3A_65] : memref<2000000xf32, #tpu.memory_space<hbm>> -> memref<2000000xf32, #tpu.memory_space<hbm>>
      tpu.enqueue_indirect_dma source(%dma_start3A_66 : memref<2000000xf32, #tpu.memory_space<hbm>>) target(%dma_start3A_63 : memref<104xf32, #tpu.memory_space<vmem>>) offsets(%dma_start3A_64 : memref<104xi32, #tpu.memory_space<vmem>>) semaphore(%arg22 : memref<!tpu.dma_semaphore, #tpu.memory_space<semaphore_mem>>)
      %mul3A_67 = arith.constant 208 : i32
      %mul3A_68 = arith.muli %scan3A_38, %mul3A_67 : i32
      %add3A_69 = arith.constant 104 : i32
      %add3A_70 = arith.addi %mul3A_68, %add3A_69 : i32
      %dma_start3A_71 = tpu.memref_slice %arg18[%add3A_70] : memref<13312xf32, #tpu.memory_space<vmem>> -> memref<104xf32, #tpu.memory_space<vmem>>
      %dma_start3A_72 = tpu.memref_slice %arg16[%add3A_70] : memref<6656xi32, #tpu.memory_space<vmem>> -> memref<104xi32, #tpu.memory_space<vmem>>
      %dma_start3A_73 = arith.constant 0 : i32
      %dma_start3A_74 = tpu.memref_slice %arg7[%dma_start3A_73] : memref<2000000xf32, #tpu.memory_space<hbm>> -> memref<2000000xf32, #tpu.memory_space<hbm>>
      tpu.enqueue_indirect_dma source(%dma_start3A_74 : memref<2000000xf32, #tpu.memory_space<hbm>>) target(%dma_start3A_71 : memref<104xf32, #tpu.memory_space<vmem>>) offsets(%dma_start3A_72 : memref<104xi32, #tpu.memory_space<vmem>>) semaphore(%arg22 : memref<!tpu.dma_semaphore, #tpu.memory_space<semaphore_mem>>)
      %add3A_75 = arith.constant 6656 : i32
      %add3A_76 = arith.addi %add3A_75, %add3A_70 : i32
      %dma_start3A_77 = tpu.memref_slice %arg18[%add3A_76] : memref<13312xf32, #tpu.memory_space<vmem>> -> memref<104xf32, #tpu.memory_space<vmem>>
      %dma_start3A_78 = tpu.memref_slice %arg16[%add3A_70] : memref<6656xi32, #tpu.memory_space<vmem>> -> memref<104xi32, #tpu.memory_space<vmem>>
      %dma_start3A_79 = arith.constant 0 : i32
      %dma_start3A_80 = tpu.memref_slice %arg8[%dma_start3A_79] : memref<2000000xf32, #tpu.memory_space<hbm>> -> memref<2000000xf32, #tpu.memory_space<hbm>>
      tpu.enqueue_indirect_dma source(%dma_start3A_80 : memref<2000000xf32, #tpu.memory_space<hbm>>) target(%dma_start3A_77 : memref<104xf32, #tpu.memory_space<vmem>>) offsets(%dma_start3A_78 : memref<104xi32, #tpu.memory_space<vmem>>) semaphore(%arg22 : memref<!tpu.dma_semaphore, #tpu.memory_space<semaphore_mem>>)
      %dma_start3A_81 = tpu.memref_slice %arg19[%add3A_70] : memref<13312xf32, #tpu.memory_space<vmem>> -> memref<104xf32, #tpu.memory_space<vmem>>
      %dma_start3A_82 = tpu.memref_slice %arg17[%add3A_70] : memref<6656xi32, #tpu.memory_space<vmem>> -> memref<104xi32, #tpu.memory_space<vmem>>
      %dma_start3A_83 = arith.constant 0 : i32
      %dma_start3A_84 = tpu.memref_slice %arg9[%dma_start3A_83] : memref<2000000xf32, #tpu.memory_space<hbm>> -> memref<2000000xf32, #tpu.memory_space<hbm>>
      tpu.enqueue_indirect_dma source(%dma_start3A_84 : memref<2000000xf32, #tpu.memory_space<hbm>>) target(%dma_start3A_81 : memref<104xf32, #tpu.memory_space<vmem>>) offsets(%dma_start3A_82 : memref<104xi32, #tpu.memory_space<vmem>>) semaphore(%arg22 : memref<!tpu.dma_semaphore, #tpu.memory_space<semaphore_mem>>)
      %add3A_85 = arith.constant 6656 : i32
      %add3A_86 = arith.addi %add3A_85, %add3A_70 : i32
      %dma_start3A_87 = tpu.memref_slice %arg19[%add3A_86] : memref<13312xf32, #tpu.memory_space<vmem>> -> memref<104xf32, #tpu.memory_space<vmem>>
      %dma_start3A_88 = tpu.memref_slice %arg17[%add3A_70] : memref<6656xi32, #tpu.memory_space<vmem>> -> memref<104xi32, #tpu.memory_space<vmem>>
      %dma_start3A_89 = arith.constant 0 : i32
      %dma_start3A_90 = tpu.memref_slice %arg10[%dma_start3A_89] : memref<2000000xf32, #tpu.memory_space<hbm>> -> memref<2000000xf32, #tpu.memory_space<hbm>>
      tpu.enqueue_indirect_dma source(%dma_start3A_90 : memref<2000000xf32, #tpu.memory_space<hbm>>) target(%dma_start3A_87 : memref<104xf32, #tpu.memory_space<vmem>>) offsets(%dma_start3A_88 : memref<104xi32, #tpu.memory_space<vmem>>) semaphore(%arg22 : memref<!tpu.dma_semaphore, #tpu.memory_space<semaphore_mem>>)
    }
    %scan3A_22 = arith.constant 32 : i32
    %scan3A_23 = arith.constant 0 : i32
    %scan3A_24 = arith.constant 64 : i32
    %scan3A_25 = arith.addi %scan3A_23, %scan3A_24 : i32
    %scan3A_26 = arith.constant 1 : i32
    scf.for %scan3A_38 = %scan3A_23 to %scan3A_25 step %scan3A_26  : i32 {
      %mul3A_39 = arith.constant 104 : i32
      %mul3A_40 = arith.muli %scan3A_38, %mul3A_39 : i32
      %dma_wait3A = tpu.memref_slice %arg18[%mul3A_40] : memref<13312xf32, #tpu.memory_space<vmem>> -> memref<104xf32, #tpu.memory_space<vmem>>
      %dma_wait3A_41 = tpu.memref_slice %arg16[%mul3A_40] : memref<6656xi32, #tpu.memory_space<vmem>> -> memref<104xi32, #tpu.memory_space<vmem>>
      %dma_wait3A_42 = arith.constant 0 : i32
      %dma_wait3A_43 = tpu.memref_slice %arg7[%dma_wait3A_42] : memref<2000000xf32, #tpu.memory_space<hbm>> -> memref<2000000xf32, #tpu.memory_space<hbm>>
      tpu.wait_indirect_dma semaphore(%arg22 : memref<!tpu.dma_semaphore, #tpu.memory_space<semaphore_mem>>) src(%dma_wait3A_43 : memref<2000000xf32, #tpu.memory_space<hbm>>) dst(%dma_wait3A : memref<104xf32, #tpu.memory_space<vmem>>)
      %add3A_44 = arith.constant 6656 : i32
      %add3A_45 = arith.addi %add3A_44, %mul3A_40 : i32
      %dma_wait3A_46 = tpu.memref_slice %arg18[%add3A_45] : memref<13312xf32, #tpu.memory_space<vmem>> -> memref<104xf32, #tpu.memory_space<vmem>>
      %dma_wait3A_47 = tpu.memref_slice %arg16[%mul3A_40] : memref<6656xi32, #tpu.memory_space<vmem>> -> memref<104xi32, #tpu.memory_space<vmem>>
      %dma_wait3A_48 = arith.constant 0 : i32
      %dma_wait3A_49 = tpu.memref_slice %arg8[%dma_wait3A_48] : memref<2000000xf32, #tpu.memory_space<hbm>> -> memref<2000000xf32, #tpu.memory_space<hbm>>
      tpu.wait_indirect_dma semaphore(%arg22 : memref<!tpu.dma_semaphore, #tpu.memory_space<semaphore_mem>>) src(%dma_wait3A_49 : memref<2000000xf32, #tpu.memory_space<hbm>>) dst(%dma_wait3A_46 : memref<104xf32, #tpu.memory_space<vmem>>)
      %dma_wait3A_50 = tpu.memref_slice %arg19[%mul3A_40] : memref<13312xf32, #tpu.memory_space<vmem>> -> memref<104xf32, #tpu.memory_space<vmem>>
      %dma_wait3A_51 = tpu.memref_slice %arg17[%mul3A_40] : memref<6656xi32, #tpu.memory_space<vmem>> -> memref<104xi32, #tpu.memory_space<vmem>>
      %dma_wait3A_52 = arith.constant 0 : i32
      %dma_wait3A_53 = tpu.memref_slice %arg9[%dma_wait3A_52] : memref<2000000xf32, #tpu.memory_space<hbm>> -> memref<2000000xf32, #tpu.memory_space<hbm>>
      tpu.wait_indirect_dma semaphore(%arg22 : memref<!tpu.dma_semaphore, #tpu.memory_space<semaphore_mem>>) src(%dma_wait3A_53 : memref<2000000xf32, #tpu.memory_space<hbm>>) dst(%dma_wait3A_50 : memref<104xf32, #tpu.memory_space<vmem>>)
      %add3A_54 = arith.constant 6656 : i32
      %add3A_55 = arith.addi %add3A_54, %mul3A_40 : i32
      %dma_wait3A_56 = tpu.memref_slice %arg19[%add3A_55] : memref<13312xf32, #tpu.memory_space<vmem>> -> memref<104xf32, #tpu.memory_space<vmem>>
      %dma_wait3A_57 = tpu.memref_slice %arg17[%mul3A_40] : memref<6656xi32, #tpu.memory_space<vmem>> -> memref<104xi32, #tpu.memory_space<vmem>>
      %dma_wait3A_58 = arith.constant 0 : i32
      %dma_wait3A_59 = tpu.memref_slice %arg10[%dma_wait3A_58] : memref<2000000xf32, #tpu.memory_space<hbm>> -> memref<2000000xf32, #tpu.memory_space<hbm>>
      tpu.wait_indirect_dma semaphore(%arg22 : memref<!tpu.dma_semaphore, #tpu.memory_space<semaphore_mem>>) src(%dma_wait3A_59 : memref<2000000xf32, #tpu.memory_space<hbm>>) dst(%dma_wait3A_56 : memref<104xf32, #tpu.memory_space<vmem>>)
    }
    %scan3A_27 = arith.constant 64 : i32
    %scan3A_28 = arith.constant 0 : i32
    %scan3A_29 = arith.constant 32 : i32
    %scan3A_30 = arith.addi %scan3A_28, %scan3A_29 : i32
    %scan3A_31 = arith.constant 1 : i32
    scf.for %scan3A_38 = %scan3A_28 to %scan3A_30 step %scan3A_31  : i32 {
      %scan3A_39 = arith.constant 0 : i32
      %scan3A_40 = arith.constant 13 : i32
      %scan3A_41 = arith.addi %scan3A_39, %scan3A_40 : i32
      %scan3A_42 = arith.constant 1 : i32
      scf.for %scan3A_54 = %scan3A_39 to %scan3A_41 step %scan3A_42  : i32 {
        %mul3A_55 = arith.constant 208 : i32
        %mul3A_56 = arith.muli %scan3A_38, %mul3A_55 : i32
        %mul3A_57 = arith.constant 16 : i32
        %mul3A_58 = arith.muli %scan3A_54, %mul3A_57 : i32
        %add3A_59 = arith.addi %mul3A_56, %mul3A_58 : i32
        %add3A_60 = vector.broadcast %add3A_59 : i32 to vector<16xi32>
        %add3A_61 = arith.addi %add3A_60, %iota3A : vector<16xi32>
        %mul3A_62 = arith.constant 8 : i32
        %mul3A_63 = vector.broadcast %mul3A_62 : i32 to vector<16xi32>
        %mul3A_64 = arith.muli %add3A_61, %mul3A_63 : vector<16xi32>
        %add3A_65 = arith.constant 0 : i32
        %add3A_66 = vector.broadcast %add3A_65 : i32 to vector<16xi32>
        %add3A_67 = arith.addi %add3A_61, %add3A_66 : vector<16xi32>
        %gather3A = tpu.vector_load_idx %arg18[%add3A_67] : memref<13312xf32, #tpu.memory_space<vmem>>[vector<16xi32>], vector<16xf32>,
        %add3A_68 = arith.constant 4 : i32
        %add3A_69 = vector.broadcast %add3A_68 : i32 to vector<16xi32>
        %add3A_70 = arith.addi %mul3A_64, %add3A_69 : vector<16xi32>
        tpu.vector_store_idx %arg21[%add3A_70], %gather3A : memref<53248xf32, #tpu.memory_space<vmem>>[vector<16xi32>], vector<16xf32>,
        %add3A_71 = arith.constant 6656 : i32
        %add3A_72 = vector.broadcast %add3A_71 : i32 to vector<16xi32>
        %add3A_73 = arith.addi %add3A_61, %add3A_72 : vector<16xi32>
        %gather3A_74 = tpu.vector_load_idx %arg18[%add3A_73] : memref<13312xf32, #tpu.memory_space<vmem>>[vector<16xi32>], vector<16xf32>,
        %add3A_75 = arith.constant 5 : i32
        %add3A_76 = vector.broadcast %add3A_75 : i32 to vector<16xi32>
        %add3A_77 = arith.addi %mul3A_64, %add3A_76 : vector<16xi32>
        tpu.vector_store_idx %arg21[%add3A_77], %gather3A_74 : memref<53248xf32, #tpu.memory_space<vmem>>[vector<16xi32>], vector<16xf32>,
        %add3A_78 = arith.constant 0 : i32
        %add3A_79 = vector.broadcast %add3A_78 : i32 to vector<16xi32>
        %add3A_80 = arith.addi %add3A_61, %add3A_79 : vector<16xi32>
        %gather3A_81 = tpu.vector_load_idx %arg19[%add3A_80] : memref<13312xf32, #tpu.memory_space<vmem>>[vector<16xi32>], vector<16xf32>,
        %add3A_82 = arith.constant 6 : i32
        %add3A_83 = vector.broadcast %add3A_82 : i32 to vector<16xi32>
        %add3A_84 = arith.addi %mul3A_64, %add3A_83 : vector<16xi32>
        tpu.vector_store_idx %arg21[%add3A_84], %gather3A_81 : memref<53248xf32, #tpu.memory_space<vmem>>[vector<16xi32>], vector<16xf32>,
        %add3A_85 = arith.constant 6656 : i32
        %add3A_86 = vector.broadcast %add3A_85 : i32 to vector<16xi32>
        %add3A_87 = arith.addi %add3A_61, %add3A_86 : vector<16xi32>
        %gather3A_88 = tpu.vector_load_idx %arg19[%add3A_87] : memref<13312xf32, #tpu.memory_space<vmem>>[vector<16xi32>], vector<16xf32>,
        %add3A_89 = arith.constant 7 : i32
        %add3A_90 = vector.broadcast %add3A_89 : i32 to vector<16xi32>
        %add3A_91 = arith.addi %mul3A_64, %add3A_90 : vector<16xi32>
        tpu.vector_store_idx %arg21[%add3A_91], %gather3A_88 : memref<53248xf32, #tpu.memory_space<vmem>>[vector<16xi32>], vector<16xf32>,
      }
      %scan3A_43 = arith.constant 13 : i32
      %mul3A_44 = arith.constant 1664 : i32
      %mul3A_45 = arith.muli %scan3A_38, %mul3A_44 : i32
      %mul3A_46 = arith.constant 32 : i32
      %mul3A_47 = arith.muli %add3A, %mul3A_46 : i32
      %add3A_48 = arith.addi %mul3A_47, %scan3A_38 : i32
      %mul3A_49 = arith.constant 1600 : i32
      %mul3A_50 = arith.muli %add3A_48, %mul3A_49 : i32
      %dma_start3A = tpu.memref_slice %arg21[%mul3A_45] : memref<53248xf32, #tpu.memory_space<vmem>> -> memref<1600xf32, #tpu.memory_space<vmem>>
      %dma_start3A_51 = tpu.memref_slice %arg12[%mul3A_50] : memref<1638400xf32, #tpu.memory_space<hbm>> -> memref<1600xf32, #tpu.memory_space<hbm>>
      %dma_start3A_52 = tpu.memref_slice %arg12[%mul3A_50] : memref<1638400xf32, #tpu.memory_space<hbm>> -> memref<1600xf32, #tpu.memory_space<hbm>>
      %dma_start3A_53 = tpu.memref_slice %arg21[%mul3A_45] : memref<53248xf32, #tpu.memory_space<vmem>> -> memref<1600xf32, #tpu.memory_space<vmem>>
      tpu.enqueue_dma source(%dma_start3A_53 : memref<1600xf32, #tpu.memory_space<vmem>>) target(%dma_start3A_52 : memref<1600xf32, #tpu.memory_space<hbm>>) target_semaphore(%arg22 : memref<!tpu.dma_semaphore, #tpu.memory_space<semaphore_mem>>)
    }
    %scan3A_32 = arith.constant 32 : i32
    %scan3A_33 = arith.constant 0 : i32
    %scan3A_34 = arith.constant 32 : i32
    %scan3A_35 = arith.addi %scan3A_33, %scan3A_34 : i32
    %scan3A_36 = arith.constant 1 : i32
    scf.for %scan3A_38 = %scan3A_33 to %scan3A_35 step %scan3A_36  : i32 {
      %mul3A_39 = arith.constant 1664 : i32
      %mul3A_40 = arith.muli %scan3A_38, %mul3A_39 : i32
      %mul3A_41 = arith.constant 32 : i32
      %mul3A_42 = arith.muli %add3A, %mul3A_41 : i32
      %add3A_43 = arith.addi %mul3A_42, %scan3A_38 : i32
      %mul3A_44 = arith.constant 1600 : i32
      %mul3A_45 = arith.muli %add3A_43, %mul3A_44 : i32
      %dma_wait3A = tpu.memref_slice %arg21[%mul3A_40] : memref<53248xf32, #tpu.memory_space<vmem>> -> memref<1600xf32, #tpu.memory_space<vmem>>
      %dma_wait3A_46 = tpu.memref_slice %arg12[%mul3A_45] : memref<1638400xf32, #tpu.memory_space<hbm>> -> memref<1600xf32, #tpu.memory_space<hbm>>
      %dma_wait3A_47 = tpu.memref_slice %arg12[%mul3A_45] : memref<1638400xf32, #tpu.memory_space<hbm>> -> memref<1600xf32, #tpu.memory_space<hbm>>
      %dma_wait3A_48 = tpu.memref_slice %arg21[%mul3A_40] : memref<53248xf32, #tpu.memory_space<vmem>> -> memref<1600xf32, #tpu.memory_space<vmem>>
      tpu.wait_dma2 semaphore(%arg22 : memref<!tpu.dma_semaphore, #tpu.memory_space<semaphore_mem>>) src(%dma_wait3A_48 : memref<1600xf32, #tpu.memory_space<vmem>>) dst(%dma_wait3A_47 : memref<1600xf32, #tpu.memory_space<hbm>>)
    }
    %scan3A_37 = arith.constant 32 : i32
    return
  }
}

</mosaic_0001>

<sc_bundles>
// kernel: _pyramid_sc.3.cloned.1.call-start
scs
__scs_entry_jumppad:
0x0: {  	(pc) =	sbr.rel $0x88, $3  }
0x1: {  	(tag) =	ssettag $0x0;
	lr =	simm.s32 $0x1  }
0x2: {  	[smem:$0x3F97] =	sst lr;
	_ =	strace $0xD0000000  }
0x3: {  	_ = 	snop  }
0x4: {  	_ = 	snop  }
0x5: {  	_ = 	snop  }
0x6: {  	_ = 	snop  }
0x7: {  	_ = 	snop  }
__scs_overlays_trampoline_lowered:
0x8: {  	[smem:$0x3FA6] =	sst s0  }
0x9: {  	[smem:$0x3FA7] =	sst s1  }
0xa: {  	[smem:$0x3FA8] =	sst s2  }
0xb: {  	[smem:$0x3FA9] =	sst s3  }
0xc: {  	[smem:$0x3FAA] =	sst s4  }
0xd: {  	[smem:$0x3FAB] =	sst s5  }
0xe: {  	[smem:$0x3FAC] =	sst s6  }
0xf: {  	[smem:$0x3FAD] =	sst s7  }
0x10: {  	[smem:$0x3FAE] =	sst s8  }
0x11: {  	[smem:$0x3FAF] =	sst s9;
	s0 =	simm.s32 @!p0 $0x0  }
0x12: {  	s1 =	sld [smem:$0x3F95];
	s0 =	simm.s32 @p0 $0x1  }
0x13: {  	[smem:$0x3FB0] =	sst s0;
	s0 =	simm.s32 @!p1 $0x0  }
0x14: {  	s2 =	sld [smem:$0x3F94];
	s0 =	simm.s32 @p1 $0x1  }
0x15: {  	[smem:$0x3FB1] =	sst s0;
	s0 =	simm.s32 @!p2 $0x0  }
0x16: {  	s3 =	sld [smem:$0x3FDB];
	s0 =	simm.s32 @p2 $0x1  }
0x17: {  	s4 =	simm.s32 $0x1BF5;
	[smem:$0x3FB3] =	sst s0  }
0x18: {  	s0 =	sld [smem:$0x3F96];
	_ =	swait.ge [sflag:s4], $0x0  }
0x19: {  	s7 =	sld [smem:$0x3F97]  }
0x1a: {  	s8 =	sadd.s32 $0xFFFFE003, lr  }
0x1b: {  	s9 =	sadd.s32 $0xFFFFFEF7, lr;
	s5 =	simm.s32 $0xFFFFFFFF;
	p2 =	slt.u32 s8, $0xFFFFF086  }
0x1c: {  	p1 =	slt.u32 s9, $0xF7A;
	s5 =	simm.s32 @!p2 $0x0  }
0x1d: {  	s5 =	simm.s32 @p1 $0x1;
	p0 =	seq.s32 s7, s2  }
0x1e: {  	s7 =	smul.u32 @!p0 $0xF7A, s2;
	p2 =	seq.s32 @!p0 s5, $0x0  }
0x1f: {  	s9 =	smul.u32 $0xF7A, s1;
	s8 =	simm.s32 @!p0 $0x1BF5;
	p2 =	por !p2, p0  }
0x20: {  	[sflag:s8] =	ssyncset.s32 @!p0 $0xFFFFF086;
	s6 =	sadd.s32 @!p0 s3, s7;
	s7 =	simm.s32 @!p0 $0x108  }
0x21: {  	s3 =	sadd.s32 s3, s9;
	s6 =	sadd.s32 @!p0 $0x88, s6;
	s7 =	simm.s32 @p2 $0x1082  }
0x22: {  	[simem:s7], [sflag:s8] =	dma.local @!p0 [hbm:s6], $0xF7A  }
0x23: {  	s9 =	sor.u32 $0xD0000000, s2;
	s6 =	simm.s32 $0x108;
	_ =	swait.ge @!p0 [sflag:s8], $0x0  }
0x24: {  	s3 =	sadd.s32 $0x88, s3;
	s6 =	simm.s32 @!p1 $0x1082;
	[sflag:s4] =	ssyncset.s32 $0xFFFFF086  }
0x25: {  	[simem:s6], [sflag:s4] =	dma.local [hbm:s3], $0xF7A  }
0x26: {  	[smem:$0x3F97] =	sst s1;
	(tag) =	ssettag s2;
	_ =	strace s9  }
0x27: {  	s1 =	sld [smem:$0x3FA7]  }
0x28: {  	s2 =	sld [smem:$0x3FA8]  }
0x29: {  	s4 =	sld [smem:$0x3FAA]  }
0x2a: {  	p0 =	seq.s32 s5, $0x0;
	s5 =	sld [smem:$0x3FAB]  }
0x2b: {  	s6 =	sld [smem:$0x3FAC]  }
0x2c: {  	s7 =	sld [smem:$0x3FAD]  }
0x2d: {  	s3 =	simm.s32 $0x108;
	s8 =	sld [smem:$0x3FAE]  }
0x2e: {  	s3 =	simm.s32 @!p0 $0x1082;
	s9 =	sld [smem:$0x3FAF]  }
0x2f: {  	lr =	sadd.s32 s0, s3;
	s0 =	sld [smem:$0x3FA6]  }
0x30: {  	s3 =	sld [smem:$0x3FA9]  }
0x31: {  	[smem:$0x3FB2] =	sst s10  }
0x32: {  	s10 =	sld [smem:$0x3FB0];
	_ =	sdelay $0x3  }
0x33: {  	p0 =	seq.s32 s10, $0x1;
	s10 =	sld [smem:$0x3FB2];
	_ =	sdelay $0x3  }
0x34: {  	[smem:$0x3FB2] =	sst s10  }
0x35: {  	s10 =	sld [smem:$0x3FB1];
	_ =	sdelay $0x3  }
0x36: {  	p1 =	seq.s32 s10, $0x1;
	s10 =	sld [smem:$0x3FB2];
	_ =	sdelay $0x3  }
0x37: {  	[smem:$0x3FB2] =	sst s10  }
0x38: {  	s10 =	sld [smem:$0x3FB3]  }
0x39: {  	_ = 	snop;
	(pc) =	sbr.ind lr, $3  }
0x3a: {  	_ = 	snop  }
0x3b: {  	_ = 	snop  }
0x3c: {  	p2 =	seq.s32 s10, $0x1;
	s10 =	sld [smem:$0x3FB2]  }
0x3d: {  	_ =	shalt  }
0x3e: {  	_ =	shalt  }
0x3f: {  	_ =	shalt  }
0x40: {  	_ =	shalt  }
0x41: {  	_ =	shalt  }
0x42: {  	_ =	shalt  }
0x43: {  	_ =	shalt  }
0x44: {  	_ =	shalt  }
0x45: {  	_ =	shalt  }
0x46: {  	_ =	shalt  }
0x47: {  	_ =	shalt  }
0x48: {  	_ =	shalt  }
0x49: {  	_ =	shalt  }
0x4a: {  	_ =	shalt  }
0x4b: {  	_ =	shalt  }
0x4c: {  	_ =	shalt  }
0x4d: {  	_ =	shalt  }
0x4e: {  	_ =	shalt  }
0x4f: {  	_ =	shalt  }
0x50: {  	_ =	shalt  }
0x51: {  	_ =	shalt  }
0x52: {  	_ =	shalt  }
0x53: {  	_ =	shalt  }
0x54: {  	_ =	shalt  }
0x55: {  	_ =	shalt  }
0x56: {  	_ =	shalt  }
0x57: {  	_ =	shalt  }
0x58: {  	_ =	shalt  }
0x59: {  	_ =	shalt  }
0x5a: {  	_ =	shalt  }
0x5b: {  	_ =	shalt  }
0x5c: {  	_ =	shalt  }
0x5d: {  	_ =	shalt  }
0x5e: {  	_ =	shalt  }
0x5f: {  	_ =	shalt  }
0x60: {  	_ =	shalt  }
0x61: {  	_ =	shalt  }
0x62: {  	_ =	shalt  }
0x63: {  	_ =	shalt  }
0x64: {  	_ =	shalt  }
0x65: {  	_ =	shalt  }
0x66: {  	_ =	shalt  }
0x67: {  	_ =	shalt  }
0x68: {  	_ =	shalt  }
0x69: {  	_ =	shalt  }
0x6a: {  	_ =	shalt  }
0x6b: {  	_ =	shalt  }
0x6c: {  	_ =	shalt  }
0x6d: {  	_ =	shalt  }
0x6e: {  	_ =	shalt  }
0x6f: {  	_ =	shalt  }
0x70: {  	_ =	shalt  }
0x71: {  	_ =	shalt  }
0x72: {  	_ =	shalt  }
0x73: {  	_ =	shalt  }
0x74: {  	_ =	shalt  }
0x75: {  	_ =	shalt  }
0x76: {  	_ =	shalt  }
0x77: {  	_ =	shalt  }
0x78: {  	_ =	shalt  }
0x79: {  	_ =	shalt  }
0x7a: {  	_ =	shalt  }
0x7b: {  	_ =	shalt  }
0x7c: {  	_ =	shalt  }
0x7d: {  	_ =	shalt  }
0x7e: {  	_ =	shalt  }
0x7f: {  	_ =	shalt  }
0x80: {  	_ =	shalt  }
0x81: {  	_ =	shalt  }
0x82: {  	_ =	shalt  }
0x83: {  	_ =	shalt  }
0x84: {  	_ =	shalt  }
0x85: {  	_ =	shalt  }
0x86: {  	_ =	shalt  }
0x87: {  	_ =	shalt  }
.Lfunc_end0:
.L_simem_size_0:
called_computation_lowered:
.L_overlay_start_0:
0x88: {  	s2 =	sld [smem:$0x3FD9]  }
0x89: {  	s3 =	sld [smem:$0x3FFE];
	_ =	sdelay $0x1  }
0x8a: {  	s1 =	srdreg.scid  }
0x8b: {  	s0 =	sand.u32 $0x1, s1  }
0x8c: {  	s18 =	sshll.u32 s0, $0xA;
	s2 =	sadd.s32 s3, s2  }
0x8d: {  	s2 =	sadd.s32 s2, s18  }
0x8e: {  	[smem:$0x3FBE] =	sst s2  }
0x8f: {  	_ = 	snop  }
0x90: {  	s2 =	sld [smem:$0x3FC9]  }
0x91: {  	s19 =	sld [smem:$0x3FC8]  }
0x92: {  	s4 =	sld [smem:$0x3FC7]  }
0x93: {  	s5 =	sld [smem:$0x3FC6]  }
0x94: {  	s6 =	sld [smem:$0x3FC5]  }
0x95: {  	s7 =	sld [smem:$0x3FC4]  }
0x96: {  	s8 =	sld [smem:$0x3FC3]  }
0x97: {  	s9 =	sld [smem:$0x3FC2]  }
0x98: {  	s10 =	sld [smem:$0x3FC1]  }
0x99: {  	s11 =	sld [smem:$0x3FC0]  }
0x9a: {  	s12 =	sld [smem:$0x3FD0];
	(tm) =	ssettm $0x1  }
0x9b: {  	s13 =	sld [smem:$0x3FFB];
	_ =	sdelay $0x3  }
0x9c: {  	_ =	strace s13  }
0x9d: {  	s13 =	sld [smem:$0x3FFC];
	_ =	sdelay $0x3  }
0x9e: {  	_ =	strace s13  }
0x9f: {  	s13 =	sld [smem:$0x3FFD];
	_ =	sdelay $0x3  }
0xa0: {  	_ =	strace s13  }
0xa1: {  	_ =	strace $0x8FFFFFFF  }
0xa2: {  	s20 =	sld [smem:$0x3FDB];
	_ =	sdelay $0x1  }
0xa3: {  	s14 =	simm.s32 $_scs_section_size  }
0xa4: {  	s15 =	simm.s32 $_size__tile_overlayer_lowered;
	s16 =	simm.s32 $_tile_overlayer_lowered  }
0xa5: {  	s23 =	simm.s32 $0x1BFF;
	s22 =	sshll.u32 s16, $0x1;
	s13 =	sadd.s32 s14, s20  }
0xa6: {  	s17 =	simm.s32 $0x0;
	s21 =	sshll.u32 s15, $0x1;
	s15 =	sadd.s32 s22, s13  }
0xa7: {  	[timem:s17], [sflag:s23] =	dma.local [hbm:s15], s21  }
0xa8: {  	_ =	swait.ge [sflag:s23], s21  }
0xa9: {  	s14 =	ssub.s32 $0x0, s21;
	[sflag:s23] =	ssyncset.done $0x0  }
0xaa: {  	[sflag:s23] =	ssyncadd.s32 s14;
	_ =	sdelay $0x1  }
0xab: {  	s24 =	simm.s32 $0x1B8B  }
0xac: {  	_ =	swait.ge [sflag:s24], $0x1  }
0xad: {  	[sflag:s24] =	ssyncset.done $0x0  }
0xae: {  	s25 =	simm.s32 $0x1B8E;
	[sflag:s24] =	ssyncadd.s32 $0xFFFFFFFF  }
0xaf: {  	s26 =	simm.s32 $execute0_lowered;
	[smem:$0x3FD2] =	sst s25  }
0xb0: {  	s14 =	sshll.u32 s26, $0x1;
	_ =	strace $0x80000046;
	[dreg:$0x1] =	wrdreg $0xFFFFFFFF  }
0xb1: {  	s28 =	simm.s32 $_size_execute0_lowered;
	s13 =	sadd.s32 s13, s14;
	[dreg:$0x0] =	wrdreg $0x0  }
0xb2: {  	s14 =	sshll.u32 s28, $0x1;
	[dreg:$0x2] =	wrdreg s13  }
0xb3: {  	[dreg:$0x3] =	wrdreg s14  }
0xb4: {  	[dreg:$0x4] =	wrdreg $0xC0  }
0xb5: {  	_ =	task [dreg:s17], $0x5FFFF  }
0xb6: {  	[dreg:$0x1] =	wrdreg $0xFFFFFFFF  }
0xb7: {  	[dreg:$0x0] =	wrdreg $0x60  }
0xb8: {  	[dreg:$0x2] =	wrdreg s2  }
0xb9: {  	[dreg:$0x3] =	wrdreg s19  }
0xba: {  	[dreg:$0x4] =	wrdreg s4  }
0xbb: {  	[dreg:$0x5] =	wrdreg s5  }
0xbc: {  	[dreg:$0x6] =	wrdreg s6  }
0xbd: {  	[dreg:$0x7] =	wrdreg s7  }
0xbe: {  	[dreg:$0x8] =	wrdreg s8  }
0xbf: {  	[dreg:$0x9] =	wrdreg s9  }
0xc0: {  	[dreg:$0xa] =	wrdreg s10  }
0xc1: {  	[dreg:$0xb] =	wrdreg s11  }
0xc2: {  	[dreg:$0xc] =	wrdreg s12  }
0xc3: {  	[dreg:$0xd] =	wrdreg $0x9  }
0xc4: {  	_ =	task.clear_ibuf [dreg:s17], $0xEFFFF;
	_ =	strace $0x90000046  }
0xc5: {  	s29 =	simm.s32 $0x9;
	_ =	strace $0x80000048  }
0xc6: {  	_ =	swait.ge [sflag:s29], $0x1  }
0xc7: {  	[sflag:s29] =	ssyncadd.s32 $0xFFFFFFFF  }
0xc8: {  	_ =	strace $0x90000048  }
0xc9: {  	_ =	sfence  }
0xca: {  	s30 =	sld [smem:$0x0];
	_ =	sdelay $0x2  }
0xcb: {  	s31 =	sshll.u32 s1, $0xD;
	s1 =	sshrl.u32 s1, $0x2  }
0xcc: {  	s3 =	sand.u32 $0x4000, s31;
	s1 =	sadd.s32 s1, s30  }
0xcd: {  	s0 =	sor.u32 s3, s0;
	s1 =	sshll.u32 s1, $0x11  }
0xce: {  	s0 =	sor.u32 s1, s0  }
0xcf: {  	s0 =	sadd.s32 $0x8F2B, s0  }
0xd0: {  	[sflag:s0] =	ssyncadd.remote.s32 $0x1  }
0xd1: {  	_ =	sfence.sel $0xFFFF  }
0xd2: {  	[dreg:$0x0] =	wrdreg $0xFFFFFFFF;
	(pc) =	sbr.abs _section_cstart, $3  }
0xd3: {  	[dreg:$0x1] =	wrdreg $0xFFFFFFFF  }
0xd4: {  	_ =	task.clear_ibuf [dreg:s17], $0x2FFFF;
	_ =	strace $0x9FFFFFFF  }
0xd5: {  	(tm) =	ssettm $0x7FFFFFFF  }
tec
execute0_lowered:
.L_overlay_start_1:
0x0: {  	(tag) =	ssettag $0x1  }
0x1: {  	s6 =	rddreg [dreg:$0x0]  }
0x2: {  	s0 =	rddreg [dreg:$0x1]  }
0x3: {  	s1 =	rddreg [dreg:$0x2]  }
0x4: {  	s2 =	rddreg [dreg:$0x3]  }
0x5: {  	s3 =	rddreg [dreg:$0x4]  }
0x6: {  	s4 =	rddreg [dreg:$0x5]  }
0x7: {  	s5 =	rddreg [dreg:$0x6]  }
0x8: {  	s7 =	rddreg [dreg:$0x7]  }
0x9: {  	s8 =	rddreg [dreg:$0x8];
	s9 =	srdreg.scid  }
0xa: {  	s10 =	stileid.u32;
	s11 =	rddreg [dreg:$0xa]  }
0xb: {  	s12 =	simm.s32 $0x0;
	s16 =	simm.s32 $0x2;
	s17 =	simm.s32 $0xEC00  }
0xc: {  	s18 =	simm.s32 $0x68;
	s19 =	simm.s32 $0x1;
	s20 =	simm.s32 $0x8400  }
0xd: {  	s21 =	simm.s32 $0xB800;
	s9 =	sand.u32 $0x1, s9;
	s13 =	sshll.u32 s10, $0x1  }
0xe: {  	s22 =	simm.s32 $0xEE00;
	s14 =	sor.u32 s9, s13;
	s9 =	ssub.s32 $0x2, s9  }
0xf: {  	[smem:$0x7FF] =	sst s12;
	s13 =	smul.u32 $0x380, s14;
	s15 =	sshrl.u32 s9, $0x1  }
0x10: {  	v0 =	vlaneseq.u32;
	s23 =	simm.s32 $0x0;
	_ =	strace $0x80000047;
	s9 =	ssub.s32 s9, s15  }
0x11: {  	v2 =	vimm.s32 $0x0;
	v1 =	vor.u32 $0x1A00, v0;
	s14 =	sshll.u32 s14, $0x5;
	s13 =	sadd.s32 s6, s13;
	s15 =	smax.u32 s9, $0x1  }
.LBB2_1:
0x12: {  	[tilespmem:s12], [sflag:$0x2] =	stream.linear.gather [hbm4b:s13+s12], $0x1C00, $0x38;
	[tilespmem:$0x1BE00] =	vst v63  }
0x13: {  	_ =	swait.ge [sflag:s16], $0x1C00  }
0x14: {  	[sflag:s16] =	ssyncset.done $0x0  }
0x15: {  	[sflag:s16] =	ssyncadd.s32 $0xFFFFE400  }
0x16: {  	s6 =	rddreg [dreg:$0x9]  }
0x17: {  	[tilespmem:s17], [sflag:$0x2] =	stream.linear.gather [hbm4b:s6+s12], $0x200, $0x38;
	[tilespmem:$0x1BE00] =	vst v63  }
0x18: {  	_ =	swait.ge [sflag:s16], $0x200  }
0x19: {  	[sflag:s16] =	ssyncset.done $0x0  }
0x1a: {  	s9 =	simm.s32 $0x40;
	s6 =	simm.s32 $0x0;
	[sflag:s16] =	ssyncadd.s32 $0xFFFFFE00  }
.LBB2_2:
0x1b: {  	p0 =	sne.s32 s9, $0x7C0;
	v3 =	vld [tilespmem:s6+$0xEC00];
	_ =	sdelay $0x4  }
0x1c: {  	v4 =	vshrl.u32 v3, $0x10  }
.Ltmp0:
0x1d: {  	v4 =	vand.u32 $0x1, v4;
	(pc) =	sbr.rel @p0 .LBB2_2-.Ltmp0, $4  }
0x1e: {  	v3 =	vadd.s32 v4, v3  }
0x1f: {  	v3 =	vadd.s32 $0x7FFF, v3  }
0x20: {  	v3 =	vand.u32 $0xFFFF0000, v3  }
0x21: {  	[tilespmem:s6+$0xEC00] =	vst v3;
	s6 =	sshra.s32 s9, $0x2;
	s9 =	sadd.s32 $0x40, s9  }
0x22: {  	v3 =	vld [tilespmem:s6+$0xEC00];
	_ =	sdelay $0x4  }
0x23: {  	v4 =	vshrl.u32 v3, $0x10  }
0x24: {  	v4 =	vand.u32 $0x1, v4  }
0x25: {  	v3 =	vadd.s32 v4, v3  }
0x26: {  	v3 =	vadd.s32 $0x7FFF, v3  }
0x27: {  	s24 =	simm.s32 $0x0;
	s25 =	simm.s32 $0x6A00;
	s26 =	simm.s32 $0x5000;
	v3 =	vand.u32 $0xFFFF0000, v3  }
0x28: {  	s28 =	simm.s32 $0x3600;
	s29 =	simm.s32 $0x1C00;
	s30 =	simm.s32 $0x0;
	[tilespmem:s6+$0xEC00] =	vst v3  }
.LBB2_4:
0x29: {  	v3 =	vmov s24;
	_ =	sdelay $0x3  }
0x2a: {  	s31 =	simm.s32 $0x0  }
0x2b: {  	v4 =	vld.idx.msk [tilespmem:v3+s31+$0x7 ss:$0x1], $0xffff;
	_ =	sdelay $0x4  }
0x2c: {  	v5 =	vmul.u32 $0x9E37, v4;
	v6 =	vmul.u32 $0x79B1, v4;
	_ =	sdelay $0x1  }
0x2d: {  	v4 =	vshra.s32 v6, $0x10;
	v7 =	vand.u32 $0xFFFF, v5  }
0x2e: {  	v7 =	vadd.s32 v7, v4  }
0x2f: {  	v4 =	vshra.s32 v5, $0x10;
	v5 =	vshra.s32 v7, $0x10;
	v8 =	vshrl.u32 v7, $0x8  }
0x30: {  	v9 =	vshll.u32 v7, $0x10;
	v5 =	vadd.s32 v4, v5;
	v4 =	vand.u32 $0xFF, v8  }
0x31: {  	v8 =	vand.u32 $0xFF0000, v9;
	v9 =	vand.u32 $0xFFFF, v6;
	v4 =	vmul.u32 $0xBDC00, v4  }
0x32: {  	v10 =	vmul.u32 $0xEC280, v5;
	v8 =	vor.u32 v9, v8  }
0x33: {  	v4 =	vadd.s32 v4, v8  }
0x34: {  	v8 =	vadd.s32 v10, v4  }
0x35: {  	v4 =	vcvt.s32.f32 v8;
	_ =	sdelay $0x1  }
0x36: {  	v4 =	vmul.f32 $4.999999990e-07, v4;
	_ =	sdelay $0x1  }
0x37: {  	v4 =	vtrunc.f32 v4  }
0x38: {  	v4 =	vcvt.f32.s32 v4;
	_ =	sdelay $0x1  }
0x39: {  	v9 =	vmul.u32 $0xFFE17B80, v4;
	_ =	sdelay $0x1  }
0x3a: {  	v4 =	vmov s29;
	v8 =	vadd.s32 v8, v9  }
0x3b: {  	vm0 =	vlt.s32 v8, $0x0;
	v9 =	vadd.s32 $0x1E8480, v8  }
0x3c: {  	v8 =	vsel vm0, v9, v8  }
0x3d: {  	vm0 =	vgt.s32 v8, $0x1E847F;
	v9 =	vadd.s32 $0xFFE17B80, v8  }
0x3e: {  	v8 =	vsel vm0, v9, v8  }
0x3f: {  	[tilespmem:v4+s31+$0x0 ss:$0x1] =	vst.idx.msk $0xffff, v8  }
0x40: {  	v8 =	vld.idx.msk [tilespmem:v3+s31+$0x6 ss:$0x1], $0xffff;
	_ =	sdelay $0x4  }
0x41: {  	v9 =	vmul.u32 $0x85EB, v8;
	v8 =	vmul.u32 $0xCA77, v8;
	_ =	sdelay $0x1  }
0x42: {  	v10 =	vshra.s32 v8, $0x10;
	v11 =	vand.u32 $0xFFFF, v9  }
0x43: {  	v10 =	vadd.s32 v11, v10  }
0x44: {  	v9 =	vshra.s32 v9, $0x10;
	v7 =	vxor.u32 v7, v10;
	v10 =	vshra.s32 v10, $0x10  }
0x45: {  	v6 =	vxor.u32 v6, v8;
	v8 =	vadd.s32 v9, v10;
	v9 =	vshrl.u32 v7, $0x8  }
0x46: {  	v10 =	vshll.u32 v7, $0x10;
	v8 =	vxor.u32 v5, v8;
	v5 =	vand.u32 $0xFF, v9  }
0x47: {  	v9 =	vand.u32 $0xFF0000, v10;
	v10 =	vand.u32 $0xFFFF, v6;
	v5 =	vmul.u32 $0xBDC00, v5  }
0x48: {  	v11 =	vmul.u32 $0xEC280, v8;
	v9 =	vor.u32 v10, v9  }
0x49: {  	v5 =	vadd.s32 v5, v9  }
0x4a: {  	v9 =	vadd.s32 v11, v5  }
0x4b: {  	v5 =	vcvt.s32.f32 v9;
	_ =	sdelay $0x1  }
0x4c: {  	v5 =	vmul.f32 $4.999999990e-07, v5;
	_ =	sdelay $0x1  }
0x4d: {  	v5 =	vtrunc.f32 v5  }
0x4e: {  	v5 =	vcvt.f32.s32 v5;
	_ =	sdelay $0x1  }
0x4f: {  	v10 =	vmul.u32 $0xFFE17B80, v5;
	_ =	sdelay $0x1  }
0x50: {  	v5 =	vmov s28;
	v9 =	vadd.s32 v9, v10  }
0x51: {  	vm14 =	vlt.s32 v9, $0x0;
	v10 =	vadd.s32 $0x1E8480, v9  }
0x52: {  	v9 =	vsel vm14, v10, v9  }
0x53: {  	vm0 =	vgt.s32 v9, $0x1E847F;
	v10 =	vadd.s32 $0xFFE17B80, v9  }
0x54: {  	v9 =	vsel vm0, v10, v9  }
0x55: {  	[tilespmem:v5+s31+$0x0 ss:$0x1] =	vst.idx.msk $0xffff, v9  }
0x56: {  	v9 =	vld.idx.msk [tilespmem:v3+s31+$0x5 ss:$0x1], $0xffff  }
0x57: {  	v10 =	vld.idx.msk [tilespmem:v3+s31+$0x4 ss:$0x1], $0xffff;
	_ =	sdelay $0x3  }
0x58: {  	v11 =	vmul.u32 $0xC2B2, v9;
	v9 =	vmul.u32 $0xAE3D, v9  }
0x59: {  	v12 =	vmul.u32 $0x78E3, v10;
	v10 =	vmul.u32 $0x8C51, v10  }
0x5a: {  	v13 =	vshra.s32 v9, $0x10;
	v14 =	vand.u32 $0xFFFE, v11;
	v11 =	vshra.s32 v11, $0x10  }
0x5b: {  	v49 =	vshra.s32 v10, $0x10;
	v15 =	vshra.s32 v12, $0x10;
	v13 =	vadd.s32 v14, v13  }
0x5c: {  	v12 =	vand.u32 $0xFFFF, v12;
	v7 =	vxor.u32 v7, v13;
	v13 =	vshra.s32 v13, $0x10  }
0x5d: {  	v6 =	vxor.u32 v6, v9;
	v9 =	vadd.s32 v11, v13;
	v11 =	vadd.s32 v12, v49  }
0x5e: {  	v10 =	vxor.u32 v10, v6;
	v7 =	vxor.u32 v11, v7;
	v6 =	vshra.s32 v11, $0x10  }
0x5f: {  	v11 =	vand.u32 $0xFFFF, v10;
	v6 =	vadd.s32 v15, v6;
	v50 =	vshrl.u32 v7, $0x8  }
0x60: {  	v51 =	vshll.u32 v7, $0x10;
	v6 =	vxor.u32 v6, v9;
	v9 =	vand.u32 $0xFF, v50  }
0x61: {  	v8 =	vxor.u32 v8, v6;
	v6 =	vmul.u32 $0xBDC00, v9;
	v9 =	vand.u32 $0xFF0000, v51  }
0x62: {  	v52 =	vmul.u32 $0xEC280, v8;
	v9 =	vor.u32 v11, v9  }
0x63: {  	v6 =	vadd.s32 v6, v9  }
0x64: {  	v9 =	vadd.s32 v52, v6  }
0x65: {  	v6 =	vcvt.s32.f32 v9;
	_ =	sdelay $0x1  }
0x66: {  	v6 =	vmul.f32 $4.999999990e-07, v6;
	_ =	sdelay $0x1  }
0x67: {  	v6 =	vtrunc.f32 v6  }
0x68: {  	v6 =	vcvt.f32.s32 v6;
	_ =	sdelay $0x1  }
0x69: {  	v11 =	vmul.u32 $0xFFE17B80, v6;
	_ =	sdelay $0x1  }
0x6a: {  	v6 =	vmov s26;
	v9 =	vadd.s32 v9, v11  }
0x6b: {  	vm15 =	vlt.s32 v9, $0x0;
	v11 =	vadd.s32 $0x1E8480, v9  }
0x6c: {  	v9 =	vsel vm15, v11, v9  }
0x6d: {  	vm0 =	vgt.s32 v9, $0x1E847F;
	v11 =	vadd.s32 $0xFFE17B80, v9  }
0x6e: {  	v9 =	vsel vm0, v11, v9  }
0x6f: {  	[tilespmem:v6+s31+$0x0 ss:$0x1] =	vst.idx.msk $0xffff, v9  }
0x70: {  	v9 =	vld.idx.msk [tilespmem:v3+s31+$0x2 ss:$0x1], $0xffff  }
0x71: {  	v11 =	vld.idx.msk [tilespmem:v3+s31+$0x3 ss:$0x1], $0xffff  }
0x72: {  	v53 =	vld.idx.msk [tilespmem:v3+s31+$0x1 ss:$0x1], $0xffff  }
0x73: {  	v54 =	vld.idx.msk [tilespmem:v3+s31+$0x0 ss:$0x1], $0xffff;
	_ =	sdelay $0x2  }
0x74: {  	v55 =	vmul.u32 $0x5, v9;
	v56 =	vmul.u32 $0x48C2, v11  }
0x75: {  	v11 =	vmul.u32 $0x7395, v11;
	v9 =	vmul.u32 $0x6000, v9;
	v17 =	vmul.u32 $0x3000, v53  }
0x76: {  	v12 =	vmul.u32 $0x59, v53;
	v20 =	vmul.u32 $0x5, v54;
	v13 =	vmul.u32 $0x1800, v54  }
0x77: {  	v16 =	vshra.s32 v55, $0x10;
	v18 =	vshra.s32 v11, $0x10;
	v19 =	vand.u32 $0xFFFE, v56  }
0x78: {  	v57 =	vand.u32 $0xE000, v9;
	v9 =	vshra.s32 v9, $0x10;
	v10 =	vxor.u32 v10, v11  }
0x79: {  	v58 =	vshra.s32 v12, $0x10;
	v59 =	vand.u32 $0xF000, v17;
	v15 =	vshra.s32 v56, $0x10  }
0x7a: {  	v17 =	vshra.s32 v17, $0x10;
	v60 =	vand.u32 $0xF800, v13;
	v13 =	vshra.s32 v13, $0x10  }
0x7b: {  	v61 =	vshra.s32 v20, $0x10;
	v18 =	vadd.s32 v19, v18;
	v16 =	vadd.s32 v57, v16  }
0x7c: {  	v10 =	vxor.u32 v55, v10;
	v62 =	vadd.s32 v60, v61;
	v7 =	vxor.u32 v7, v18  }
0x7d: {  	v11 =	vshra.s32 v18, $0x10;
	v18 =	vadd.s32 v59, v58;
	v14 =	vshra.s32 v62, $0x10  }
0x7e: {  	v10 =	vxor.u32 v12, v10;
	v7 =	vxor.u32 v16, v7;
	v16 =	vshra.s32 v16, $0x10  }
0x7f: {  	v21 =	vshra.s32 v18, $0x10;
	v11 =	vadd.s32 v15, v11;
	v10 =	vxor.u32 v20, v10  }
0x80: {  	v7 =	vxor.u32 v18, v7;
	v17 =	vadd.s32 v17, v21;
	v9 =	vadd.s32 v9, v16  }
0x81: {  	v7 =	vxor.u32 v62, v7;
	v9 =	vxor.u32 v9, v11;
	v11 =	vadd.s32 v13, v14  }
0x82: {  	v63 =	vshll.u32 v7, $0x10;
	v9 =	vxor.u32 v17, v9;
	v7 =	vshrl.u32 v7, $0x8  }
0x83: {  	v13 =	vand.u32 $0xFF0000, v63;
	v9 =	vxor.u32 v11, v9;
	v7 =	vand.u32 $0xFF, v7  }
0x84: {  	v8 =	vxor.u32 v8, v9;
	v7 =	vmul.u32 $0xBDC00, v7;
	v9 =	vand.u32 $0xFFFF, v10  }
0x85: {  	v8 =	vmul.u32 $0xEC280, v8;
	v9 =	vor.u32 v9, v13  }
0x86: {  	v7 =	vadd.s32 v7, v9  }
0x87: {  	v8 =	vadd.s32 v8, v7  }
0x88: {  	v7 =	vcvt.s32.f32 v8;
	_ =	sdelay $0x1  }
0x89: {  	v7 =	vmul.f32 $4.999999990e-07, v7;
	_ =	sdelay $0x1  }
0x8a: {  	v9 =	vtrunc.f32 v7  }
0x8b: {  	s9 =	smul.u32 $0xD0, s30;
	s6 =	simm.s32 $0x40;
	v7 =	vmov s25;
	v9 =	vcvt.f32.s32 v9  }
.LBB2_5:
0x8c: {  	p0 =	sne.s32 s6, $0x300;
	s10 =	smov.u32 s6;
	s6 =	sadd.s32 $0x40, s6  }
0x8d: {  	v9 =	vmul.u32 $0xFFE17B80, v9;
	_ =	sdelay $0x1  }
0x8e: {  	v8 =	vadd.s32 v8, v9  }
0x8f: {  	vm0 =	vlt.s32 v8, $0x0;
	v9 =	vadd.s32 $0x1E8480, v8  }
0x90: {  	v8 =	vsel vm0, v9, v8  }
0x91: {  	vm0 =	vgt.s32 v8, $0x1E847F;
	v9 =	vadd.s32 $0xFFE17B80, v8  }
0x92: {  	v8 =	vsel vm0, v9, v8  }
0x93: {  	[tilespmem:v7+s31+$0x0 ss:$0x1] =	vst.idx.msk $0xffff, v8;
	s31 =	sshra.s32 s10, $0x2  }
0x94: {  	v8 =	vld.idx.msk [tilespmem:v3+s31+$0x7 ss:$0x1], $0xffff;
	_ =	sdelay $0x5  }
0x95: {  	v9 =	vmul.u32 $0x9E37, v8;
	v8 =	vmul.u32 $0x79B1, v8;
	_ =	sdelay $0x1  }
0x96: {  	v10 =	vshra.s32 v8, $0x10;
	v11 =	vand.u32 $0xFFFF, v9  }
0x97: {  	v9 =	vshra.s32 v9, $0x10;
	v10 =	vadd.s32 v11, v10  }
0x98: {  	v11 =	vshra.s32 v10, $0x10;
	v12 =	vshrl.u32 v10, $0x8;
	v13 =	vshll.u32 v10, $0x10  }
0x99: {  	v9 =	vadd.s32 v9, v11;
	v11 =	vand.u32 $0xFF, v12;
	v12 =	vand.u32 $0xFF0000, v13  }
0x9a: {  	v13 =	vand.u32 $0xFFFF, v8;
	v11 =	vmul.u32 $0xBDC00, v11  }
0x9b: {  	v14 =	vmul.u32 $0xEC280, v9;
	v12 =	vor.u32 v13, v12  }
0x9c: {  	v11 =	vadd.s32 v11, v12  }
0x9d: {  	v11 =	vadd.s32 v14, v11  }
0x9e: {  	v12 =	vcvt.s32.f32 v11;
	_ =	sdelay $0x1  }
0x9f: {  	v12 =	vmul.f32 $4.999999990e-07, v12;
	_ =	sdelay $0x1  }
0xa0: {  	v12 =	vtrunc.f32 v12  }
0xa1: {  	v12 =	vcvt.f32.s32 v12;
	_ =	sdelay $0x1  }
0xa2: {  	v12 =	vmul.u32 $0xFFE17B80, v12;
	_ =	sdelay $0x1  }
0xa3: {  	v11 =	vadd.s32 v11, v12  }
0xa4: {  	vm0 =	vlt.s32 v11, $0x0;
	v12 =	vadd.s32 $0x1E8480, v11  }
0xa5: {  	v11 =	vsel vm0, v12, v11  }
0xa6: {  	vm0 =	vgt.s32 v11, $0x1E847F;
	v12 =	vadd.s32 $0xFFE17B80, v11  }
0xa7: {  	v11 =	vsel vm0, v12, v11  }
0xa8: {  	[tilespmem:v4+s31+$0x0 ss:$0x1] =	vst.idx.msk $0xffff, v11  }
0xa9: {  	v11 =	vld.idx.msk [tilespmem:v3+s31+$0x6 ss:$0x1], $0xffff;
	_ =	sdelay $0x5  }
0xaa: {  	v12 =	vmul.u32 $0x85EB, v11;
	v11 =	vmul.u32 $0xCA77, v11;
	_ =	sdelay $0x1  }
0xab: {  	v8 =	vxor.u32 v8, v11;
	v11 =	vshra.s32 v11, $0x10;
	v13 =	vand.u32 $0xFFFF, v12  }
0xac: {  	v11 =	vadd.s32 v13, v11  }
0xad: {  	v12 =	vshra.s32 v12, $0x10;
	v10 =	vxor.u32 v10, v11;
	v11 =	vshra.s32 v11, $0x10  }
0xae: {  	v11 =	vadd.s32 v12, v11;
	v12 =	vshrl.u32 v10, $0x8;
	v13 =	vshll.u32 v10, $0x10  }
0xaf: {  	v9 =	vxor.u32 v9, v11;
	v11 =	vand.u32 $0xFF, v12;
	v12 =	vand.u32 $0xFF0000, v13  }
0xb0: {  	v13 =	vand.u32 $0xFFFF, v8;
	v11 =	vmul.u32 $0xBDC00, v11  }
0xb1: {  	v14 =	vmul.u32 $0xEC280, v9;
	v12 =	vor.u32 v13, v12  }
0xb2: {  	v11 =	vadd.s32 v11, v12  }
0xb3: {  	v11 =	vadd.s32 v14, v11  }
0xb4: {  	v12 =	vcvt.s32.f32 v11;
	_ =	sdelay $0x1  }
0xb5: {  	v12 =	vmul.f32 $4.999999990e-07, v12;
	_ =	sdelay $0x1  }
0xb6: {  	v12 =	vtrunc.f32 v12  }
0xb7: {  	v12 =	vcvt.f32.s32 v12;
	_ =	sdelay $0x1  }
0xb8: {  	v12 =	vmul.u32 $0xFFE17B80, v12;
	_ =	sdelay $0x1  }
0xb9: {  	v11 =	vadd.s32 v11, v12  }
0xba: {  	vm0 =	vlt.s32 v11, $0x0;
	v12 =	vadd.s32 $0x1E8480, v11  }
0xbb: {  	v11 =	vsel vm0, v12, v11  }
0xbc: {  	vm0 =	vgt.s32 v11, $0x1E847F;
	v12 =	vadd.s32 $0xFFE17B80, v11  }
0xbd: {  	v11 =	vsel vm0, v12, v11  }
0xbe: {  	[tilespmem:v5+s31+$0x0 ss:$0x1] =	vst.idx.msk $0xffff, v11  }
0xbf: {  	v11 =	vld.idx.msk [tilespmem:v3+s31+$0x5 ss:$0x1], $0xffff  }
0xc0: {  	v12 =	vld.idx.msk [tilespmem:v3+s31+$0x4 ss:$0x1], $0xffff;
	_ =	sdelay $0x4  }
0xc1: {  	v13 =	vmul.u32 $0xC2B2, v11;
	v11 =	vmul.u32 $0xAE3D, v11  }
0xc2: {  	v14 =	vmul.u32 $0x78E3, v12;
	v12 =	vmul.u32 $0x8C51, v12  }
0xc3: {  	v15 =	vshra.s32 v11, $0x10;
	v16 =	vand.u32 $0xFFFE, v13;
	v13 =	vshra.s32 v13, $0x10  }
0xc4: {  	v15 =	vadd.s32 v16, v15;
	v16 =	vshra.s32 v12, $0x10;
	v17 =	vshra.s32 v14, $0x10  }
0xc5: {  	v14 =	vand.u32 $0xFFFF, v14;
	v10 =	vxor.u32 v10, v15;
	v15 =	vshra.s32 v15, $0x10  }
0xc6: {  	v8 =	vxor.u32 v8, v11;
	v11 =	vadd.s32 v13, v15;
	v13 =	vadd.s32 v14, v16  }
0xc7: {  	v8 =	vxor.u32 v12, v8;
	v10 =	vxor.u32 v13, v10;
	v12 =	vshra.s32 v13, $0x10  }
0xc8: {  	v13 =	vand.u32 $0xFFFF, v8;
	v12 =	vadd.s32 v17, v12;
	v14 =	vshrl.u32 v10, $0x8  }
0xc9: {  	v11 =	vxor.u32 v12, v11;
	v12 =	vand.u32 $0xFF, v14;
	v14 =	vshll.u32 v10, $0x10  }
0xca: {  	v9 =	vxor.u32 v9, v11;
	v11 =	vmul.u32 $0xBDC00, v12;
	v12 =	vand.u32 $0xFF0000, v14  }
0xcb: {  	v14 =	vmul.u32 $0xEC280, v9;
	v12 =	vor.u32 v13, v12  }
0xcc: {  	v11 =	vadd.s32 v11, v12  }
0xcd: {  	v11 =	vadd.s32 v14, v11  }
0xce: {  	v12 =	vcvt.s32.f32 v11;
	_ =	sdelay $0x1  }
0xcf: {  	v12 =	vmul.f32 $4.999999990e-07, v12;
	_ =	sdelay $0x1  }
0xd0: {  	v12 =	vtrunc.f32 v12  }
0xd1: {  	v12 =	vcvt.f32.s32 v12;
	_ =	sdelay $0x1  }
0xd2: {  	v12 =	vmul.u32 $0xFFE17B80, v12;
	_ =	sdelay $0x1  }
0xd3: {  	v11 =	vadd.s32 v11, v12  }
0xd4: {  	vm0 =	vlt.s32 v11, $0x0;
	v12 =	vadd.s32 $0x1E8480, v11  }
0xd5: {  	v11 =	vsel vm0, v12, v11  }
0xd6: {  	vm0 =	vgt.s32 v11, $0x1E847F;
	v12 =	vadd.s32 $0xFFE17B80, v11  }
0xd7: {  	v11 =	vsel vm0, v12, v11  }
0xd8: {  	[tilespmem:v6+s31+$0x0 ss:$0x1] =	vst.idx.msk $0xffff, v11  }
0xd9: {  	v11 =	vld.idx.msk [tilespmem:v3+s31+$0x2 ss:$0x1], $0xffff  }
0xda: {  	v12 =	vld.idx.msk [tilespmem:v3+s31+$0x3 ss:$0x1], $0xffff  }
0xdb: {  	v13 =	vld.idx.msk [tilespmem:v3+s31+$0x1 ss:$0x1], $0xffff  }
0xdc: {  	v14 =	vld.idx.msk [tilespmem:v3+s31+$0x0 ss:$0x1], $0xffff;
	_ =	sdelay $0x2  }
0xdd: {  	v15 =	vmul.u32 $0x5, v11  }
0xde: {  	v11 =	vmul.u32 $0x6000, v11;
	v16 =	vmul.u32 $0x48C2, v12;
	v12 =	vmul.u32 $0x7395, v12  }
0xdf: {  	v17 =	vshra.s32 v15, $0x10;
	v18 =	vmul.u32 $0x3000, v13;
	v13 =	vmul.u32 $0x59, v13  }
0xe0: {  	v19 =	vshra.s32 v12, $0x10;
	v20 =	vand.u32 $0xFFFE, v16;
	v21 =	vmul.u32 $0x5, v14  }
0xe1: {  	v19 =	vadd.s32 v20, v19;
	v20 =	vand.u32 $0xE000, v11;
	v11 =	vshra.s32 v11, $0x10  }
0xe2: {  	v8 =	vxor.u32 v8, v12;
	v10 =	vxor.u32 v10, v19;
	v12 =	vshra.s32 v19, $0x10  }
0xe3: {  	v16 =	vshra.s32 v16, $0x10;
	v14 =	vmul.u32 $0x1800, v14;
	v17 =	vadd.s32 v20, v17  }
0xe4: {  	v19 =	vshra.s32 v13, $0x10;
	v20 =	vand.u32 $0xF000, v18;
	v10 =	vxor.u32 v17, v10  }
0xe5: {  	v18 =	vshra.s32 v18, $0x10;
	v19 =	vadd.s32 v20, v19;
	v20 =	vand.u32 $0xF800, v14  }
0xe6: {  	v17 =	vshra.s32 v17, $0x10;
	v14 =	vshra.s32 v14, $0x10;
	v22 =	vshra.s32 v19, $0x10  }
0xe7: {  	v10 =	vxor.u32 v19, v10;
	v19 =	vshra.s32 v21, $0x10;
	v18 =	vadd.s32 v18, v22  }
0xe8: {  	v8 =	vxor.u32 v15, v8;
	v12 =	vadd.s32 v16, v12;
	v15 =	vadd.s32 v20, v19  }
0xe9: {  	v11 =	vadd.s32 v11, v17;
	v10 =	vxor.u32 v15, v10;
	v15 =	vshra.s32 v15, $0x10  }
0xea: {  	v11 =	vxor.u32 v11, v12;
	v14 =	vadd.s32 v14, v15;
	v12 =	vshll.u32 v10, $0x10  }
0xeb: {  	v11 =	vxor.u32 v18, v11;
	v10 =	vshrl.u32 v10, $0x8;
	v12 =	vand.u32 $0xFF0000, v12  }
0xec: {  	v8 =	vxor.u32 v13, v8;
	v11 =	vxor.u32 v14, v11;
	v10 =	vand.u32 $0xFF, v10  }
0xed: {  	v8 =	vxor.u32 v21, v8;
	v9 =	vxor.u32 v9, v11;
	v10 =	vmul.u32 $0xBDC00, v10  }
0xee: {  	v8 =	vand.u32 $0xFFFF, v8;
	v9 =	vmul.u32 $0xEC280, v9  }
0xef: {  	v8 =	vor.u32 v8, v12  }
0xf0: {  	v8 =	vadd.s32 v10, v8  }
0xf1: {  	v8 =	vadd.s32 v9, v8  }
0xf2: {  	v9 =	vcvt.s32.f32 v8  }
.Ltmp1:
0xf3: {  	(pc) =	sbr.rel @p0 .LBB2_5-.Ltmp1, $3  }
0xf4: {  	v9 =	vmul.f32 $4.999999990e-07, v9;
	_ =	sdelay $0x1  }
0xf5: {  	v9 =	vtrunc.f32 v9  }
0xf6: {  	v9 =	vcvt.f32.s32 v9  }
0xf7: {  	_ = 	snop  }
0xf8: {  	v3 =	vmul.u32 $0xFFE17B80, v9;
	_ =	sdelay $0x1  }
0xf9: {  	v3 =	vadd.s32 v8, v3  }
0xfa: {  	vm0 =	vlt.s32 v3, $0x0;
	v4 =	vadd.s32 $0x1E8480, v3  }
0xfb: {  	v3 =	vsel vm0, v4, v3  }
0xfc: {  	vm0 =	vgt.s32 v3, $0x1E847F;
	v4 =	vadd.s32 $0xFFE17B80, v3  }
0xfd: {  	v3 =	vsel vm0, v4, v3  }
0xfe: {  	s6 =	sadd.s32 $0x8400, s9;
	s10 =	sadd.s32 $0x1C00, s9;
	[tilespmem:v7+s31+$0x0 ss:$0x1] =	vst.idx.msk $0xffff, v3  }
0xff: {  	[tilespmem:s6], [sflag:$0x1] =	stream.indirect.gather [hbm4b:s0+s18], $0x1, s10, s18, $0xb8;
	[tilespmem:$0x1BE00] =	vst v63  }
0x100: {  	s31 =	sadd.s32 $0x9E00, s9  }
0x101: {  	[tilespmem:s31], [sflag:$0x1] =	stream.indirect.gather [hbm4b:s1+s18], $0x1, s10, s18, $0xb8;
	[tilespmem:$0x1BE00] =	vst v63  }
0x102: {  	s31 =	sadd.s32 $0xB800, s9;
	s10 =	sadd.s32 $0x3600, s9  }
0x103: {  	[tilespmem:s31], [sflag:$0x1] =	stream.indirect.gather [hbm4b:s2+s18], $0x1, s10, s18, $0xb8;
	[tilespmem:$0x1BE00] =	vst v63  }
0x104: {  	s31 =	sadd.s32 $0xD200, s9  }
0x105: {  	[tilespmem:s31], [sflag:$0x1] =	stream.indirect.gather [hbm4b:s3+s18], $0x1, s10, s18, $0xb8;
	[tilespmem:$0x1BE00] =	vst v63  }
0x106: {  	s30 =	sadd.s32 $0x1, s30;
	s31 =	sadd.s32 $0x8468, s9;
	s10 =	sadd.s32 $0x1C68, s9  }
0x107: {  	[tilespmem:s31], [sflag:$0x1] =	stream.indirect.gather [hbm4b:s0+s18], $0x1, s10, s18, $0xb8;
	[tilespmem:$0x1BE00] =	vst v63  }
0x108: {  	p0 =	sne.s32 s30, $0x20;
	s31 =	sadd.s32 $0x9E68, s9  }
0x109: {  	[tilespmem:s31], [sflag:$0x1] =	stream.indirect.gather [hbm4b:s1+s18], $0x1, s10, s18, $0xb8;
	[tilespmem:$0x1BE00] =	vst v63  }
.Ltmp2:
0x10a: {  	s25 =	sadd.s32 $0xD0, s25;
	s26 =	sadd.s32 $0xD0, s26;
	(pc) =	sbr.rel @p0 .LBB2_4-.Ltmp2, $4  }
0x10b: {  	s28 =	sadd.s32 $0xD0, s28;
	s31 =	sadd.s32 $0xB868, s9;
	s10 =	sadd.s32 $0x3668, s9  }
0x10c: {  	[tilespmem:s31], [sflag:$0x1] =	stream.indirect.gather [hbm4b:s2+s18], $0x1, s10, s18, $0xb8;
	[tilespmem:$0x1BE00] =	vst v63  }
0x10d: {  	s29 =	sadd.s32 $0xD0, s29;
	s24 =	sadd.s32 $0xE0, s24;
	s31 =	sadd.s32 $0xD268, s9  }
0x10e: {  	[tilespmem:s31], [sflag:$0x1] =	stream.indirect.gather [hbm4b:s3+s18], $0x1, s10, s18, $0xb8;
	[tilespmem:$0x1BE00] =	vst v63  }
0x10f: {  	_ =	swait.ge [sflag:s19], $0x68  }
0x110: {  	[sflag:s19] =	ssyncset.done $0x0  }
0x111: {  	[sflag:s19] =	ssyncadd.s32 $0xFFFFFF98  }
0x112: {  	_ =	swait.ge [sflag:s19], $0x68  }
0x113: {  	[sflag:s19] =	ssyncset.done $0x0  }
0x114: {  	[sflag:s19] =	ssyncadd.s32 $0xFFFFFF98  }
0x115: {  	_ =	swait.ge [sflag:s19], $0x68  }
0x116: {  	[sflag:s19] =	ssyncset.done $0x0  }
0x117: {  	[sflag:s19] =	ssyncadd.s32 $0xFFFFFF98  }
0x118: {  	_ =	swait.ge [sflag:s19], $0x68  }
0x119: {  	s6 =	simm.s32 $0x3F;
	[sflag:s19] =	ssyncset.done $0x0  }
.LBB2_8:
0x11a: {  	p0 =	sne.s32 s6, $0x1;
	s6 =	sadd.s32 $0xFFFFFFFF, s6;
	[sflag:s19] =	ssyncadd.s32 $0xFFFFFF98  }
0x11b: {  	_ =	swait.ge [sflag:s19], $0x68  }
0x11c: {  	[sflag:s19] =	ssyncset.done $0x0  }
0x11d: {  	[sflag:s19] =	ssyncadd.s32 $0xFFFFFF98  }
0x11e: {  	_ =	swait.ge [sflag:s19], $0x68  }
0x11f: {  	[sflag:s19] =	ssyncset.done $0x0  }
0x120: {  	[sflag:s19] =	ssyncadd.s32 $0xFFFFFF98  }
.Ltmp3:
0x121: {  	_ =	swait.ge [sflag:s19], $0x68;
	(pc) =	sbr.rel @p0 .LBB2_8-.Ltmp3, $4  }
0x122: {  	[sflag:s19] =	ssyncset.done $0x0  }
0x123: {  	[sflag:s19] =	ssyncadd.s32 $0xFFFFFF98  }
0x124: {  	_ =	swait.ge [sflag:s19], $0x68  }
0x125: {  	[sflag:s19] =	ssyncset.done $0x0  }
0x126: {  	[sflag:s19] =	ssyncadd.s32 $0xFFFFFF98;
	s24 =	simm.s32 $0x5000  }
0x127: {  	s25 =	simm.s32 $0x6A00;
	s26 =	simm.s32 $0x0;
	s28 =	simm.s32 $0x0  }
.LBB2_10:
0x128: {  	v8 =	vld [tilespmem:$0xED30]  }
0x129: {  	v12 =	vld [tilespmem:$0xEC70]  }
0x12a: {  	v13 =	vld [tilespmem:$0xED40]  }
0x12b: {  	v14 =	vld [tilespmem:$0xED50]  }
0x12c: {  	v15 =	vld [tilespmem:$0xED20]  }
0x12d: {  	v6 =	vor.u32 s26, v0;
	v16 =	vld [tilespmem:$0xEDC0]  }
0x12e: {  	v17 =	vld [tilespmem:$0xED90]  }
0x12f: {  	v7 =	vadd.s32 s26, v1;
	v18 =	vld [tilespmem:$0xEDD0]  }
0x130: {  	v19 =	vld [tilespmem:$0xEDE0]  }
0x131: {  	v20 =	vld [tilespmem:$0xECE0]  }
0x132: {  	v3 =	vld.idx.msk [tilespmem:v6+s21+$0x0], $0xffff  }
0x133: {  	v5 =	vld.idx.msk [tilespmem:v6+s20+$0x0], $0xffff  }
0x134: {  	v4 =	vld.idx.msk [tilespmem:v7+s20+$0x0], $0xffff  }
0x135: {  	v7 =	vld.idx.msk [tilespmem:v7+s21+$0x0], $0xffff  }
0x136: {  	v21 =	vld [tilespmem:$0xEC20]  }
0x137: {  	v23 =	vld [tilespmem:$0xED60];
	v22 =	vshrl.u32 v3, $0x10  }
0x138: {  	v26 =	vld [tilespmem:$0xEC10];
	v22 =	vand.u32 $0x1, v22  }
0x139: {  	v27 =	vld [tilespmem:$0xEC90];
	v24 =	vshrl.u32 v5, $0x10;
	v25 =	vshrl.u32 v4, $0x10;
	v22 =	vadd.s32 v22, v3  }
0x13a: {  	v28 =	vld [tilespmem:$0xECD0];
	v32 =	vshrl.u32 v7, $0x10;
	v25 =	vand.u32 $0x1, v25;
	v22 =	vadd.s32 $0x7FFF, v22  }
0x13b: {  	v29 =	vld [tilespmem:$0xECC0];
	v24 =	vand.u32 $0x1, v24;
	v25 =	vadd.s32 v25, v4;
	v22 =	vand.u32 $0xFFFF0000, v22  }
0x13c: {  	v30 =	vld [tilespmem:$0xED10];
	v32 =	vand.u32 $0x1, v32;
	v25 =	vadd.s32 $0x7FFF, v25;
	v21 =	vmul.f32 v22, v21  }
0x13d: {  	v31 =	vld [tilespmem:$0xEC40];
	v25 =	vand.u32 $0xFFFF0000, v25;
	v19 =	vmul.f32 v22, v19;
	v20 =	vmul.f32 v22, v20  }
0x13e: {  	v33 =	vld [tilespmem:$0xEC30];
	v24 =	vadd.s32 v24, v5;
	v26 =	vmul.f32 v25, v26;
	v23 =	vmul.f32 v22, v23  }
0x13f: {  	v34 =	vld [tilespmem:$0xEC60];
	v24 =	vadd.s32 $0x7FFF, v24;
	v27 =	vmul.f32 v25, v27;
	v18 =	vmul.f32 v25, v18  }
0x140: {  	v35 =	vld [tilespmem:$0xEC00];
	v24 =	vand.u32 $0xFFFF0000, v24;
	v28 =	vmul.f32 v25, v28;
	v17 =	vmul.f32 v25, v17  }
0x141: {  	v36 =	vld [tilespmem:$0xEC50];
	v32 =	vadd.s32 v32, v7;
	v29 =	vmul.f32 v24, v29;
	v16 =	vmul.f32 v24, v16  }
0x142: {  	v38 =	vld [tilespmem:$0xED00];
	v32 =	vadd.s32 $0x7FFF, v32;
	v30 =	vmul.f32 v25, v30;
	v15 =	vmul.f32 v22, v15  }
0x143: {  	v57 =	vld [tilespmem:$0xEC80];
	v32 =	vand.u32 $0xFFFF0000, v32;
	v31 =	vmul.f32 v24, v31;
	v14 =	vmul.f32 v25, v14  }
0x144: {  	v39 =	vld [tilespmem:$0xED80];
	v33 =	vmul.f32 v32, v33;
	v13 =	vmul.f32 v24, v13  }
0x145: {  	v56 =	vmul.f32 v22, v34;
	v12 =	vmul.f32 v32, v12  }
0x146: {  	v37 =	vld [tilespmem:$0xECF0];
	v35 =	vmul.f32 v24, v35;
	v58 =	vmul.f32 v32, v8  }
0x147: {  	v11 =	vld [tilespmem:$0xECB0];
	v25 =	vmul.f32 v25, v36;
	v38 =	vmul.f32 v24, v38  }
0x148: {  	v9 =	vld [tilespmem:$0xED70];
	v40 =	vmul.f32 v24, v57;
	v16 =	vadd.f32 v18, v16;
	v28 =	vadd.f32 v28, v29  }
0x149: {  	v59 =	vld [tilespmem:$0xEDF0];
	v24 =	vmul.f32 v24, v39;
	v13 =	vadd.f32 v14, v13;
	v63 =	vadd.f32 v26, v35  }
0x14a: {  	v62 =	vld [tilespmem:$0xEDA0];
	v8 =	vmov s24;
	v25 =	vadd.f32 v25, v31;
	v41 =	vadd.f32 v30, v38  }
0x14b: {  	v61 =	vmul.f32 v32, v37;
	v37 =	vld [tilespmem:$0xECA0];
	v43 =	vadd.f32 v27, v40;
	v45 =	vadd.f32 v17, v24  }
0x14c: {  	v10 =	vld [tilespmem:$0xEDB0];
	v11 =	vmul.f32 v32, v11;
	v16 =	vadd.f32 v19, v16;
	v60 =	vadd.f32 v20, v28  }
0x14d: {  	v9 =	vmul.f32 v32, v9;
	v18 =	vadd.f32 v56, v25;
	v13 =	vadd.f32 v23, v13  }
0x14e: {  	v42 =	vmul.f32 v32, v59;
	v14 =	vadd.f32 v21, v63;
	v15 =	vadd.f32 v15, v41  }
0x14f: {  	v44 =	vmul.f32 v22, v62;
	v19 =	vadd.f32 v61, v60;
	v9 =	vadd.f32 v9, v13  }
0x150: {  	v22 =	vmul.f32 v22, v37;
	v12 =	vadd.f32 v12, v18;
	v14 =	vadd.f32 v33, v14  }
0x151: {  	v10 =	vmul.f32 v32, v10;
	v16 =	vadd.f32 v42, v16;
	v13 =	vadd.f32 v44, v45  }
0x152: {  	v47 =	vadd.f32 v22, v43;
	vm0 =	vgt.f32 v19, $0.0e+00;
	vm1 =	vgt.f32 v12, $0.0e+00  }
0x153: {  	vm11 =	vgt.f32 v9, $0.0e+00;
	vm2 =	vgt.f32 v14, $0.0e+00;
	v9 =	vadd.f32 v58, v15  }
0x154: {  	v10 =	vadd.f32 v10, v13;
	vm14 =	vgt.f32 v16, $0.0e+00;
	v46 =	vsel vm0, $0x78E3, v2  }
0x155: {  	v48 =	vsel vm1, $0x85EB, v2;
	v19 =	vsel vm0, $0x8C51, v2;
	v11 =	vadd.f32 v11, v47  }
0x156: {  	v49 =	vsel vm2, $0x9E37, v2;
	v50 =	vsel vm1, $0xCA77, v2;
	v51 =	vsel vm2, $0x79B1, v2  }
0x157: {  	v58 =	vsel vm11, $0x6000, v2;
	v59 =	vsel vm14, $0x5, v2;
	vm12 =	vgt.f32 v9, $0.0e+00  }
0x158: {  	v9 =	vsel vm11, $0x5, v2;
	v13 =	vxor.u32 v51, v50;
	vm13 =	vgt.f32 v11, $0.0e+00  }
0x159: {  	s31 =	simm.s32 $0x0;
	vm3 =	vgt.f32 v10, $0.0e+00;
	v10 =	vxor.u32 v49, v48;
	v54 =	vsel vm13, $0xC2B2, v2  }
0x15a: {  	v56 =	vld.idx.msk [tilespmem:v8+s31+$0x0 ss:$0x1], $0xffff;
	v11 =	vsel vm12, $0x7395, v2;
	v53 =	vsel vm13, $0xAE3D, v2;
	v10 =	vxor.u32 v54, v10  }
0x15b: {  	v57 =	vsel vm12, $0x48C2, v2;
	v13 =	vxor.u32 v53, v13;
	v10 =	vxor.u32 v46, v10  }
0x15c: {  	v52 =	vsel vm3, $0x3000, v2;
	v13 =	vxor.u32 v19, v13;
	v10 =	vxor.u32 v57, v10  }
0x15d: {  	v55 =	vsel vm3, $0x59, v2;
	v11 =	vxor.u32 v11, v13;
	v10 =	vxor.u32 v58, v10  }
0x15e: {  	v9 =	vxor.u32 v9, v11;
	v11 =	vsel vm14, $0x1800, v2;
	v10 =	vxor.u32 v52, v10  }
0x15f: {  	v9 =	vxor.u32 v55, v9;
	v10 =	vxor.u32 v11, v10;
	v11 =	vshra.s32 v56, $0x10  }
0x160: {  	v12 =	vxor.u32 v59, v9;
	v9 =	vxor.u32 v11, v10  }
0x161: {  	v11 =	vand.u32 $0xFFFF, v56;
	v60 =	vshrl.u32 v9, $0x8;
	v9 =	vshll.u32 v9, $0x10  }
0x162: {  	v11 =	vxor.u32 v11, v12;
	v13 =	vmul.u32 $0xBDC00, v60;
	v9 =	vand.u32 $0xFF0000, v9  }
0x163: {  	v9 =	vadd.s32 v11, v9  }
0x164: {  	v9 =	vadd.s32 v13, v9  }
0x165: {  	v11 =	vcvt.s32.f32 v9;
	_ =	sdelay $0x1  }
0x166: {  	v11 =	vmul.f32 $4.999999990e-07, v11;
	_ =	sdelay $0x1  }
0x167: {  	v11 =	vtrunc.f32 v11  }
0x168: {  	v11 =	vcvt.f32.s32 v11;
	_ =	sdelay $0x1  }
0x169: {  	v11 =	vmul.u32 $0xFFE17B80, v11;
	_ =	sdelay $0x1  }
0x16a: {  	v11 =	vadd.s32 v9, v11  }
0x16b: {  	v9 =	vmov s25;
	vm15 =	vlt.s32 v11, $0x0;
	v61 =	vadd.s32 $0x1E8480, v11  }
0x16c: {  	v11 =	vsel vm15, v61, v11  }
0x16d: {  	vm0 =	vgt.s32 v11, $0x1E847F;
	v13 =	vadd.s32 $0xFFE17B80, v11  }
0x16e: {  	v11 =	vsel vm0, v13, v11  }
0x16f: {  	[tilespmem:v8+s31+$0x0 ss:$0x1] =	vst.idx.msk $0xffff, v11  }
0x170: {  	v11 =	vld.idx.msk [tilespmem:v9+s31+$0x0 ss:$0x1], $0xffff;
	_ =	sdelay $0x4  }
0x171: {  	v62 =	vshra.s32 v11, $0x10  }
0x172: {  	v10 =	vxor.u32 v62, v10  }
0x173: {  	v11 =	vand.u32 $0xFFFF, v11;
	v13 =	vshrl.u32 v10, $0x8;
	v10 =	vshll.u32 v10, $0x10  }
0x174: {  	v11 =	vxor.u32 v11, v12;
	v63 =	vmul.u32 $0xBDC00, v13;
	v10 =	vand.u32 $0xFF0000, v10  }
0x175: {  	v10 =	vadd.s32 v11, v10  }
0x176: {  	s29 =	smul.u32 $0xD0, s28;
	s6 =	simm.s32 $0x40;
	s9 =	smov.u32 s26;
	v10 =	vadd.s32 v63, v10  }
.LBB2_11:
0x177: {  	p0 =	sne.s32 s6, $0x300  }
0x178: {  	v11 =	vcvt.s32.f32 v10;
	s9 =	sadd.s32 $0x10, s9;
	s30 =	smov.u32 s6;
	s6 =	sadd.s32 $0x40, s6  }
0x179: {  	_ = 	snop  }
0x17a: {  	v11 =	vmul.f32 $4.999999990e-07, v11;
	_ =	sdelay $0x1  }
0x17b: {  	v11 =	vtrunc.f32 v11  }
0x17c: {  	v11 =	vcvt.f32.s32 v11;
	_ =	sdelay $0x1  }
0x17d: {  	v11 =	vmul.u32 $0xFFE17B80, v11;
	_ =	sdelay $0x1  }
0x17e: {  	v10 =	vadd.s32 v10, v11  }
0x17f: {  	v6 =	vshll.u32 v6, $0x3;
	vm0 =	vlt.s32 v10, $0x0;
	v11 =	vadd.s32 $0x1E8480, v10  }
0x180: {  	v10 =	vsel vm0, v11, v10;
	v11 =	vor.u32 $0x2, v6  }
0x181: {  	v13 =	vor.u32 $0x1, v6;
	vm0 =	vgt.s32 v10, $0x1E847F;
	v12 =	vadd.s32 $0xFFE17B80, v10  }
0x182: {  	v10 =	vsel vm0, v12, v10;
	v12 =	vor.u32 $0x3, v6  }
0x183: {  	[tilespmem:v9+s31+$0x0 ss:$0x1] =	vst.idx.msk $0xffff, v10  }
0x184: {  	[tilespmem:v6+s22+$0x0] =	vst.idx.msk $0xffff, v5  }
0x185: {  	[tilespmem:v11+s22+$0x0] =	vst.idx.msk $0xffff, v3  }
0x186: {  	[tilespmem:v13+s22+$0x0] =	vst.idx.msk $0xffff, v4  }
0x187: {  	[tilespmem:v12+s22+$0x0] =	vst.idx.msk $0xffff, v7  }
0x188: {  	v10 =	vld [tilespmem:$0xED70]  }
0x189: {  	v11 =	vld [tilespmem:$0xEDB0]  }
0x18a: {  	v12 =	vld [tilespmem:$0xECB0]  }
0x18b: {  	v13 =	vld [tilespmem:$0xED30]  }
0x18c: {  	v14 =	vld [tilespmem:$0xEC70]  }
0x18d: {  	v15 =	vld [tilespmem:$0xED40]  }
0x18e: {  	v6 =	vor.u32 s9, v0;
	v7 =	vadd.s32 s9, v1;
	v16 =	vld [tilespmem:$0xED50]  }
0x18f: {  	v17 =	vld [tilespmem:$0xED20]  }
0x190: {  	v18 =	vld [tilespmem:$0xEDC0]  }
0x191: {  	v19 =	vld [tilespmem:$0xED90]  }
0x192: {  	v20 =	vld [tilespmem:$0xEDD0]  }
0x193: {  	v3 =	vld.idx.msk [tilespmem:v6+s21+$0x0], $0xffff  }
0x194: {  	v5 =	vld.idx.msk [tilespmem:v6+s20+$0x0], $0xffff  }
0x195: {  	v4 =	vld.idx.msk [tilespmem:v7+s20+$0x0], $0xffff  }
0x196: {  	v21 =	vld [tilespmem:$0xEDE0]  }
0x197: {  	v22 =	vld [tilespmem:$0xECE0]  }
0x198: {  	v23 =	vld [tilespmem:$0xEC20]  }
0x199: {  	v24 =	vshrl.u32 v3, $0x10;
	v7 =	vld.idx.msk [tilespmem:v7+s21+$0x0], $0xffff  }
0x19a: {  	v25 =	vshrl.u32 v5, $0x10;
	v24 =	vand.u32 $0x1, v24;
	v26 =	vld [tilespmem:$0xED60]  }
0x19b: {  	v25 =	vand.u32 $0x1, v25;
	v27 =	vshrl.u32 v4, $0x10;
	v24 =	vadd.s32 v24, v3;
	v28 =	vld [tilespmem:$0xEC10]  }
0x19c: {  	v25 =	vadd.s32 v25, v5;
	v27 =	vand.u32 $0x1, v27;
	v24 =	vadd.s32 $0x7FFF, v24;
	v29 =	vld [tilespmem:$0xEC90]  }
0x19d: {  	v25 =	vadd.s32 $0x7FFF, v25;
	v27 =	vadd.s32 v27, v4;
	v24 =	vand.u32 $0xFFFF0000, v24;
	v30 =	vld [tilespmem:$0xECD0]  }
0x19e: {  	v27 =	vadd.s32 $0x7FFF, v27;
	v23 =	vmul.f32 v24, v23;
	v21 =	vmul.f32 v24, v21;
	v31 =	vld [tilespmem:$0xECC0]  }
0x19f: {  	v25 =	vand.u32 $0xFFFF0000, v25;
	v22 =	vmul.f32 v24, v22;
	v27 =	vand.u32 $0xFFFF0000, v27;
	v32 =	vld [tilespmem:$0xED10]  }
0x1a0: {  	v33 =	vshrl.u32 v7, $0x10;
	v26 =	vmul.f32 v24, v26;
	v28 =	vmul.f32 v27, v28;
	v34 =	vld [tilespmem:$0xEC40]  }
0x1a1: {  	v33 =	vand.u32 $0x1, v33;
	v20 =	vmul.f32 v27, v20;
	v35 =	vld [tilespmem:$0xEC30];
	v29 =	vmul.f32 v27, v29  }
0x1a2: {  	v19 =	vmul.f32 v27, v19;
	v33 =	vadd.s32 v33, v7;
	v36 =	vld [tilespmem:$0xEC60];
	v30 =	vmul.f32 v27, v30  }
0x1a3: {  	v18 =	vmul.f32 v25, v18;
	v37 =	vld [tilespmem:$0xEC00];
	v31 =	vmul.f32 v25, v31  }
0x1a4: {  	v17 =	vmul.f32 v24, v17;
	v33 =	vadd.s32 $0x7FFF, v33;
	v38 =	vld [tilespmem:$0xEC50];
	v32 =	vmul.f32 v27, v32  }
0x1a5: {  	v16 =	vmul.f32 v27, v16;
	v33 =	vand.u32 $0xFFFF0000, v33;
	v34 =	vmul.f32 v25, v34;
	v39 =	vld [tilespmem:$0xECF0]  }
0x1a6: {  	v15 =	vmul.f32 v25, v15;
	v18 =	vadd.f32 v20, v18;
	v35 =	vmul.f32 v33, v35;
	v40 =	vld [tilespmem:$0xED00]  }
0x1a7: {  	v14 =	vmul.f32 v33, v14;
	v20 =	vmul.f32 v24, v36;
	v36 =	vld [tilespmem:$0xEC80]  }
0x1a8: {  	v13 =	vmul.f32 v33, v13;
	v30 =	vadd.f32 v30, v31;
	v37 =	vmul.f32 v25, v37;
	v31 =	vld [tilespmem:$0xED80]  }
0x1a9: {  	v12 =	vmul.f32 v33, v12;
	v18 =	vadd.f32 v21, v18;
	v27 =	vmul.f32 v27, v38;
	v21 =	vld [tilespmem:$0xEDF0]  }
0x1aa: {  	v15 =	vadd.f32 v16, v15;
	v22 =	vadd.f32 v22, v30;
	v30 =	vmul.f32 v33, v39;
	v16 =	vld [tilespmem:$0xEDA0]  }
0x1ab: {  	v11 =	vmul.f32 v33, v11;
	v28 =	vadd.f32 v28, v37;
	v37 =	vld [tilespmem:$0xECA0];
	v38 =	vmul.f32 v25, v40  }
0x1ac: {  	v10 =	vmul.f32 v33, v10;
	v27 =	vadd.f32 v27, v34;
	v34 =	vmul.f32 v25, v36  }
0x1ad: {  	v22 =	vadd.f32 v30, v22;
	v30 =	vadd.f32 v32, v38;
	v25 =	vmul.f32 v25, v31  }
0x1ae: {  	v15 =	vadd.f32 v26, v15;
	v20 =	vadd.f32 v20, v27;
	v21 =	vmul.f32 v33, v21  }
0x1af: {  	v23 =	vadd.f32 v23, v28;
	v26 =	vadd.f32 v29, v34;
	v16 =	vmul.f32 v24, v16  }
0x1b0: {  	v10 =	vadd.f32 v10, v15;
	v15 =	vadd.f32 v19, v25;
	v24 =	vmul.f32 v24, v37  }
0x1b1: {  	vm0 =	vgt.f32 v22, $0.0e+00;
	v19 =	vadd.f32 v35, v23;
	v14 =	vadd.f32 v14, v20  }
0x1b2: {  	v20 =	vsel vm0, $0x78E3, v2;
	v17 =	vadd.f32 v17, v30;
	v18 =	vadd.f32 v21, v18  }
0x1b3: {  	vm1 =	vgt.f32 v14, $0.0e+00;
	v15 =	vadd.f32 v16, v15;
	v14 =	vadd.f32 v24, v26  }
0x1b4: {  	v21 =	vsel vm0, $0x8C51, v2;
	vm0 =	vgt.f32 v10, $0.0e+00;
	v16 =	vsel vm1, $0x85EB, v2  }
0x1b5: {  	vm2 =	vgt.f32 v19, $0.0e+00;
	v10 =	vadd.f32 v12, v14;
	v12 =	vadd.f32 v13, v17  }
0x1b6: {  	v11 =	vadd.f32 v11, v15;
	v13 =	vsel vm2, $0x9E37, v2;
	v14 =	vsel vm1, $0xCA77, v2  }
0x1b7: {  	v15 =	vsel vm2, $0x79B1, v2;
	vm1 =	vgt.f32 v12, $0.0e+00;
	v12 =	vsel vm0, $0x5, v2  }
0x1b8: {  	v14 =	vxor.u32 v15, v14;
	vm3 =	vgt.f32 v11, $0.0e+00;
	vm2 =	vgt.f32 v10, $0.0e+00  }
0x1b9: {  	s31 =	sshra.s32 s30, $0x2;
	v10 =	vxor.u32 v13, v16;
	v13 =	vsel vm3, $0x3000, v2;
	v11 =	vsel vm1, $0x7395, v2  }
0x1ba: {  	v17 =	vsel vm3, $0x59, v2;
	v15 =	vsel vm2, $0xAE3D, v2;
	v16 =	vsel vm2, $0xC2B2, v2;
	v19 =	vld.idx.msk [tilespmem:v8+s31+$0x0 ss:$0x1], $0xffff  }
0x1bb: {  	vm2 =	vgt.f32 v18, $0.0e+00;
	v14 =	vxor.u32 v15, v14;
	v10 =	vxor.u32 v16, v10  }
0x1bc: {  	v15 =	vsel vm1, $0x48C2, v2;
	v14 =	vxor.u32 v21, v14;
	v10 =	vxor.u32 v20, v10  }
0x1bd: {  	v11 =	vxor.u32 v11, v14;
	v10 =	vxor.u32 v15, v10;
	v14 =	vsel vm0, $0x6000, v2  }
0x1be: {  	v11 =	vxor.u32 v12, v11;
	v10 =	vxor.u32 v14, v10;
	v12 =	vsel vm2, $0x1800, v2  }
0x1bf: {  	v11 =	vxor.u32 v17, v11;
	v10 =	vxor.u32 v13, v10  }
0x1c0: {  	v13 =	vsel vm2, $0x5, v2;
	v10 =	vxor.u32 v12, v10;
	v12 =	vshra.s32 v19, $0x10  }
0x1c1: {  	v11 =	vxor.u32 v13, v11;
	v12 =	vxor.u32 v12, v10  }
0x1c2: {  	v13 =	vand.u32 $0xFFFF, v19;
	v14 =	vshrl.u32 v12, $0x8;
	v12 =	vshll.u32 v12, $0x10  }
0x1c3: {  	v13 =	vxor.u32 v13, v11;
	v14 =	vmul.u32 $0xBDC00, v14;
	v12 =	vand.u32 $0xFF0000, v12  }
0x1c4: {  	v12 =	vadd.s32 v13, v12  }
0x1c5: {  	v12 =	vadd.s32 v14, v12  }
0x1c6: {  	v13 =	vcvt.s32.f32 v12;
	_ =	sdelay $0x1  }
0x1c7: {  	v13 =	vmul.f32 $4.999999990e-07, v13;
	_ =	sdelay $0x1  }
0x1c8: {  	v13 =	vtrunc.f32 v13  }
0x1c9: {  	v13 =	vcvt.f32.s32 v13;
	_ =	sdelay $0x1  }
0x1ca: {  	v13 =	vmul.u32 $0xFFE17B80, v13;
	_ =	sdelay $0x1  }
0x1cb: {  	v12 =	vadd.s32 v12, v13  }
0x1cc: {  	vm0 =	vlt.s32 v12, $0x0;
	v13 =	vadd.s32 $0x1E8480, v12  }
0x1cd: {  	v12 =	vsel vm0, v13, v12  }
0x1ce: {  	vm0 =	vgt.s32 v12, $0x1E847F;
	v13 =	vadd.s32 $0xFFE17B80, v12  }
0x1cf: {  	v12 =	vsel vm0, v13, v12  }
0x1d0: {  	[tilespmem:v8+s31+$0x0 ss:$0x1] =	vst.idx.msk $0xffff, v12  }
0x1d1: {  	v12 =	vld.idx.msk [tilespmem:v9+s31+$0x0 ss:$0x1], $0xffff;
	_ =	sdelay $0x5  }
0x1d2: {  	v13 =	vand.u32 $0xFFFF, v12;
	v12 =	vshra.s32 v12, $0x10  }
.Ltmp4:
0x1d3: {  	v11 =	vxor.u32 v13, v11;
	v10 =	vxor.u32 v12, v10;
	(pc) =	sbr.rel @p0 .LBB2_11-.Ltmp4, $4  }
0x1d4: {  	v12 =	vshrl.u32 v10, $0x8;
	v10 =	vshll.u32 v10, $0x10  }
0x1d5: {  	v12 =	vmul.u32 $0xBDC00, v12;
	v10 =	vand.u32 $0xFF0000, v10  }
0x1d6: {  	v10 =	vadd.s32 v11, v10  }
0x1d7: {  	v10 =	vadd.s32 v12, v10  }
0x1d8: {  	v8 =	vcvt.s32.f32 v10;
	_ =	sdelay $0x1  }
0x1d9: {  	v8 =	vmul.f32 $4.999999990e-07, v8;
	_ =	sdelay $0x1  }
0x1da: {  	v8 =	vtrunc.f32 v8  }
0x1db: {  	v8 =	vcvt.f32.s32 v8;
	_ =	sdelay $0x1  }
0x1dc: {  	v8 =	vmul.u32 $0xFFE17B80, v8;
	_ =	sdelay $0x1  }
0x1dd: {  	v8 =	vadd.s32 v10, v8  }
0x1de: {  	v6 =	vshll.u32 v6, $0x3;
	vm0 =	vlt.s32 v8, $0x0;
	v10 =	vadd.s32 $0x1E8480, v8  }
0x1df: {  	v62 =	vor.u32 $0x2, v6;
	v8 =	vsel vm0, v10, v8  }
0x1e0: {  	v12 =	vor.u32 $0x1, v6;
	vm0 =	vgt.s32 v8, $0x1E847F;
	v11 =	vadd.s32 $0xFFE17B80, v8  }
0x1e1: {  	v63 =	vor.u32 $0x3, v6;
	v8 =	vsel vm0, v11, v8  }
0x1e2: {  	[tilespmem:v9+s31+$0x0 ss:$0x1] =	vst.idx.msk $0xffff, v8  }
0x1e3: {  	[tilespmem:v6+s22+$0x0] =	vst.idx.msk $0xffff, v5  }
0x1e4: {  	[tilespmem:v62+s22+$0x0] =	vst.idx.msk $0xffff, v3  }
0x1e5: {  	[tilespmem:v12+s22+$0x0] =	vst.idx.msk $0xffff, v4  }
0x1e6: {  	s6 =	sadd.s32 $0x8400, s29;
	s9 =	sadd.s32 $0x5000, s29;
	[tilespmem:v63+s22+$0x0] =	vst.idx.msk $0xffff, v7  }
0x1e7: {  	[tilespmem:s6], [sflag:$0x1] =	stream.indirect.gather [hbm4b:s4+s18], $0x1, s9, s18, $0xb8;
	[tilespmem:$0x1BE00] =	vst v63  }
0x1e8: {  	s31 =	sadd.s32 $0x9E00, s29  }
0x1e9: {  	[tilespmem:s31], [sflag:$0x1] =	stream.indirect.gather [hbm4b:s5+s18], $0x1, s9, s18, $0xb8;
	[tilespmem:$0x1BE00] =	vst v63  }
0x1ea: {  	s10 =	sadd.s32 $0xB800, s29;
	s30 =	sadd.s32 $0x6A00, s29  }
0x1eb: {  	[tilespmem:s10], [sflag:$0x1] =	stream.indirect.gather [hbm4b:s7+s18], $0x1, s30, s18, $0xb8;
	[tilespmem:$0x1BE00] =	vst v63  }
0x1ec: {  	s31 =	sadd.s32 $0xD200, s29  }
0x1ed: {  	[tilespmem:s31], [sflag:$0x1] =	stream.indirect.gather [hbm4b:s8+s18], $0x1, s30, s18, $0xb8;
	[tilespmem:$0x1BE00] =	vst v63  }
0x1ee: {  	s28 =	sadd.s32 $0x1, s28;
	s10 =	sadd.s32 $0x8468, s29;
	s30 =	sadd.s32 $0x5068, s29  }
0x1ef: {  	[tilespmem:s10], [sflag:$0x1] =	stream.indirect.gather [hbm4b:s4+s18], $0x1, s30, s18, $0xb8;
	[tilespmem:$0x1BE00] =	vst v63  }
0x1f0: {  	p0 =	sne.s32 s28, $0x20;
	s31 =	sadd.s32 $0x9E68, s29  }
0x1f1: {  	[tilespmem:s31], [sflag:$0x1] =	stream.indirect.gather [hbm4b:s5+s18], $0x1, s30, s18, $0xb8;
	[tilespmem:$0x1BE00] =	vst v63  }
.Ltmp5:
0x1f2: {  	_ = 	snop;
	(pc) =	sbr.rel @p0 .LBB2_10-.Ltmp5, $4  }
0x1f3: {  	s24 =	sadd.s32 $0xD0, s24;
	s10 =	sadd.s32 $0xB868, s29;
	s30 =	sadd.s32 $0x6A68, s29  }
0x1f4: {  	[tilespmem:s10], [sflag:$0x1] =	stream.indirect.gather [hbm4b:s7+s18], $0x1, s30, s18, $0xb8;
	[tilespmem:$0x1BE00] =	vst v63  }
0x1f5: {  	s25 =	sadd.s32 $0xD0, s25;
	s26 =	sadd.s32 $0xD0, s26;
	s31 =	sadd.s32 $0xD268, s29  }
0x1f6: {  	[tilespmem:s31], [sflag:$0x1] =	stream.indirect.gather [hbm4b:s8+s18], $0x1, s30, s18, $0xb8;
	[tilespmem:$0x1BE00] =	vst v63  }
0x1f7: {  	_ =	swait.ge [sflag:s19], $0x68  }
0x1f8: {  	[sflag:s19] =	ssyncset.done $0x0  }
0x1f9: {  	[sflag:s19] =	ssyncadd.s32 $0xFFFFFF98  }
0x1fa: {  	_ =	swait.ge [sflag:s19], $0x68  }
0x1fb: {  	[sflag:s19] =	ssyncset.done $0x0  }
0x1fc: {  	[sflag:s19] =	ssyncadd.s32 $0xFFFFFF98  }
0x1fd: {  	_ =	swait.ge [sflag:s19], $0x68  }
0x1fe: {  	[sflag:s19] =	ssyncset.done $0x0  }
0x1ff: {  	[sflag:s19] =	ssyncadd.s32 $0xFFFFFF98  }
0x200: {  	_ =	swait.ge [sflag:s19], $0x68  }
0x201: {  	s9 =	simm.s32 $0x3F;
	[sflag:s19] =	ssyncset.done $0x0  }
.LBB2_14:
0x202: {  	p0 =	sne.s32 s9, $0x1;
	s9 =	sadd.s32 $0xFFFFFFFF, s9;
	[sflag:s19] =	ssyncadd.s32 $0xFFFFFF98  }
0x203: {  	_ =	swait.ge [sflag:s19], $0x68  }
0x204: {  	[sflag:s19] =	ssyncset.done $0x0  }
0x205: {  	[sflag:s19] =	ssyncadd.s32 $0xFFFFFF98  }
0x206: {  	_ =	swait.ge [sflag:s19], $0x68  }
0x207: {  	[sflag:s19] =	ssyncset.done $0x0  }
0x208: {  	[sflag:s19] =	ssyncadd.s32 $0xFFFFFF98  }
.Ltmp6:
0x209: {  	_ =	swait.ge [sflag:s19], $0x68;
	(pc) =	sbr.rel @p0 .LBB2_14-.Ltmp6, $4  }
0x20a: {  	[sflag:s19] =	ssyncset.done $0x0  }
0x20b: {  	[sflag:s19] =	ssyncadd.s32 $0xFFFFFF98  }
0x20c: {  	_ =	swait.ge [sflag:s19], $0x68  }
0x20d: {  	s6 =	simm.s32 $0x0;
	[sflag:s19] =	ssyncset.done $0x0  }
0x20e: {  	[sflag:s19] =	ssyncadd.s32 $0xFFFFFF98;
	s9 =	simm.s32 $0x0  }
.LBB2_16:
0x20f: {  	s10 =	sadd.s32 $0x0, s6  }
0x210: {  	v3 =	vor.u32 s10, v0;
	_ =	sdelay $0x3  }
0x211: {  	v4 =	vshll.u32 v3, $0x3  }
0x212: {  	v6 =	vor.u32 $0x4, v4;
	v5 =	vld.idx.msk [tilespmem:v3+s20+$0x0], $0xffff  }
0x213: {  	v7 =	vadd.s32 s10, v1;
	_ =	sdelay $0x3  }
0x214: {  	[tilespmem:v6+s22+$0x0] =	vst.idx.msk $0xffff, v5  }
0x215: {  	v6 =	vor.u32 $0x5, v4;
	v5 =	vld.idx.msk [tilespmem:v7+s20+$0x0], $0xffff;
	_ =	sdelay $0x4  }
0x216: {  	[tilespmem:v6+s22+$0x0] =	vst.idx.msk $0xffff, v5  }
0x217: {  	v5 =	vor.u32 $0x6, v4;
	v3 =	vld.idx.msk [tilespmem:v3+s21+$0x0], $0xffff;
	_ =	sdelay $0x4  }
0x218: {  	[tilespmem:v5+s22+$0x0] =	vst.idx.msk $0xffff, v3  }
0x219: {  	s25 =	sadd.s32 $0x10, s6;
	s24 =	simm.s32 $0x20;
	v4 =	vor.u32 $0x7, v4;
	v3 =	vld.idx.msk [tilespmem:v7+s21+$0x0], $0xffff  }
.LBB2_17:
0x21a: {  	p0 =	sne.s32 s24, $0xC0;
	v5 =	vor.u32 s25, v0;
	_ =	sdelay $0x3  }
0x21b: {  	[tilespmem:v4+s22+$0x0] =	vst.idx.msk $0xffff, v3  }
0x21c: {  	v4 =	vshll.u32 v5, $0x3;
	v3 =	vld.idx.msk [tilespmem:v5+s20+$0x0], $0xffff  }
0x21d: {  	v6 =	vor.u32 $0x4, v4  }
0x21e: {  	v7 =	vadd.s32 s25, v1;
	_ =	sdelay $0x3  }
0x21f: {  	[tilespmem:v6+s22+$0x0] =	vst.idx.msk $0xffff, v3  }
0x220: {  	v3 =	vld.idx.msk [tilespmem:v7+s20+$0x0], $0xffff  }
0x221: {  	v6 =	vor.u32 $0x5, v4;
	_ =	sdelay $0x4  }
0x222: {  	[tilespmem:v6+s22+$0x0] =	vst.idx.msk $0xffff, v3  }
0x223: {  	v3 =	vld.idx.msk [tilespmem:v5+s21+$0x0], $0xffff  }
0x224: {  	v5 =	vor.u32 $0x6, v4;
	_ =	sdelay $0x2  }
.Ltmp7:
0x225: {  	(pc) =	sbr.rel @p0 .LBB2_17-.Ltmp7, $4  }
0x226: {  	_ = 	snop  }
0x227: {  	[tilespmem:v5+s22+$0x0] =	vst.idx.msk $0xffff, v3  }
0x228: {  	v3 =	vld.idx.msk [tilespmem:v7+s21+$0x0], $0xffff  }
0x229: {  	s25 =	sadd.s32 s24, s6;
	s24 =	sadd.s32 $0x10, s24;
	v4 =	vor.u32 $0x7, v4  }
0x22a: {  	v5 =	vor.u32 s25, v0;
	_ =	sdelay $0x3  }
0x22b: {  	[tilespmem:v4+s22+$0x0] =	vst.idx.msk $0xffff, v3;
	v3 =	vshll.u32 v5, $0x3  }
0x22c: {  	v6 =	vor.u32 $0x4, v3;
	v4 =	vld.idx.msk [tilespmem:v5+s20+$0x0], $0xffff  }
0x22d: {  	v7 =	vadd.s32 s25, v1;
	_ =	sdelay $0x3  }
0x22e: {  	[tilespmem:v6+s22+$0x0] =	vst.idx.msk $0xffff, v4  }
0x22f: {  	v62 =	vor.u32 $0x5, v3;
	v4 =	vld.idx.msk [tilespmem:v7+s20+$0x0], $0xffff;
	_ =	sdelay $0x4  }
0x230: {  	[tilespmem:v62+s22+$0x0] =	vst.idx.msk $0xffff, v4  }
0x231: {  	v63 =	vor.u32 $0x6, v3;
	v4 =	vld.idx.msk [tilespmem:v5+s21+$0x0], $0xffff;
	_ =	sdelay $0x4  }
0x232: {  	[tilespmem:v63+s22+$0x0] =	vst.idx.msk $0xffff, v4  }
0x233: {  	s10 =	sadd.s32 s14, s9;
	s24 =	smul.u32 $0x1A00, s9;
	s9 =	sadd.s32 $0x1, s9;
	v3 =	vor.u32 $0x7, v3;
	v4 =	vld.idx.msk [tilespmem:v7+s21+$0x0], $0xffff  }
0x234: {  	p0 =	sne.s32 s9, $0x20  }
.Ltmp8:
0x235: {  	_ = 	snop;
	(pc) =	sbr.rel @p0 .LBB2_16-.Ltmp8, $4  }
0x236: {  	s10 =	smul.u32 $0xC8, s10  }
0x237: {  	s24 =	sshra.s32 s24, $0x2  }
0x238: {  	s6 =	sadd.s32 $0xD0, s6;
	s10 =	sadd.s32 s11, s10;
	s24 =	sadd.s32 $0xEE00, s24;
	[tilespmem:v3+s22+$0x0] =	vst.idx.msk $0xffff, v4  }
0x239: {  	[hbm4b:s10+s12] =	stream.linear.scatter [tilespmem:s24], [sflag:$0x1], $0x640, $0x38;
	[tilespmem:$0x1BE00] =	vst v63  }
0x23a: {  	_ =	swait.ge [sflag:s19], $0x640  }
0x23b: {  	[sflag:s19] =	ssyncset.done $0x0  }
0x23c: {  	[sflag:s19] =	ssyncadd.s32 $0xFFFFF9C0  }
0x23d: {  	_ =	swait.ge [sflag:s19], $0x640  }
0x23e: {  	[sflag:s19] =	ssyncset.done $0x0  }
0x23f: {  	[sflag:s19] =	ssyncadd.s32 $0xFFFFF9C0  }
0x240: {  	_ =	swait.ge [sflag:s19], $0x640  }
0x241: {  	[sflag:s19] =	ssyncset.done $0x0  }
0x242: {  	[sflag:s19] =	ssyncadd.s32 $0xFFFFF9C0  }
0x243: {  	_ =	swait.ge [sflag:s19], $0x640  }
0x244: {  	[sflag:s19] =	ssyncset.done $0x0  }
0x245: {  	[sflag:s19] =	ssyncadd.s32 $0xFFFFF9C0  }
0x246: {  	_ =	swait.ge [sflag:s19], $0x640  }
0x247: {  	[sflag:s19] =	ssyncset.done $0x0  }
0x248: {  	[sflag:s19] =	ssyncadd.s32 $0xFFFFF9C0  }
0x249: {  	_ =	swait.ge [sflag:s19], $0x640  }
0x24a: {  	[sflag:s19] =	ssyncset.done $0x0  }
0x24b: {  	[sflag:s19] =	ssyncadd.s32 $0xFFFFF9C0  }
0x24c: {  	_ =	swait.ge [sflag:s19], $0x640  }
0x24d: {  	[sflag:s19] =	ssyncset.done $0x0  }
0x24e: {  	[sflag:s19] =	ssyncadd.s32 $0xFFFFF9C0  }
0x24f: {  	_ =	swait.ge [sflag:s19], $0x640  }
0x250: {  	[sflag:s19] =	ssyncset.done $0x0  }
0x251: {  	[sflag:s19] =	ssyncadd.s32 $0xFFFFF9C0  }
0x252: {  	_ =	swait.ge [sflag:s19], $0x640  }
0x253: {  	[sflag:s19] =	ssyncset.done $0x0  }
0x254: {  	[sflag:s19] =	ssyncadd.s32 $0xFFFFF9C0  }
0x255: {  	_ =	swait.ge [sflag:s19], $0x640  }
0x256: {  	[sflag:s19] =	ssyncset.done $0x0  }
0x257: {  	[sflag:s19] =	ssyncadd.s32 $0xFFFFF9C0  }
0x258: {  	_ =	swait.ge [sflag:s19], $0x640  }
0x259: {  	[sflag:s19] =	ssyncset.done $0x0  }
0x25a: {  	[sflag:s19] =	ssyncadd.s32 $0xFFFFF9C0  }
0x25b: {  	_ =	swait.ge [sflag:s19], $0x640  }
0x25c: {  	[sflag:s19] =	ssyncset.done $0x0  }
0x25d: {  	[sflag:s19] =	ssyncadd.s32 $0xFFFFF9C0  }
0x25e: {  	_ =	swait.ge [sflag:s19], $0x640  }
0x25f: {  	[sflag:s19] =	ssyncset.done $0x0  }
0x260: {  	[sflag:s19] =	ssyncadd.s32 $0xFFFFF9C0  }
0x261: {  	_ =	swait.ge [sflag:s19], $0x640  }
0x262: {  	[sflag:s19] =	ssyncset.done $0x0  }
0x263: {  	[sflag:s19] =	ssyncadd.s32 $0xFFFFF9C0  }
0x264: {  	_ =	swait.ge [sflag:s19], $0x640  }
0x265: {  	[sflag:s19] =	ssyncset.done $0x0  }
0x266: {  	[sflag:s19] =	ssyncadd.s32 $0xFFFFF9C0  }
0x267: {  	_ =	swait.ge [sflag:s19], $0x640  }
0x268: {  	[sflag:s19] =	ssyncset.done $0x0  }
0x269: {  	[sflag:s19] =	ssyncadd.s32 $0xFFFFF9C0  }
0x26a: {  	_ =	swait.ge [sflag:s19], $0x640  }
0x26b: {  	[sflag:s19] =	ssyncset.done $0x0  }
0x26c: {  	[sflag:s19] =	ssyncadd.s32 $0xFFFFF9C0  }
0x26d: {  	_ =	swait.ge [sflag:s19], $0x640  }
0x26e: {  	[sflag:s19] =	ssyncset.done $0x0  }
0x26f: {  	[sflag:s19] =	ssyncadd.s32 $0xFFFFF9C0  }
0x270: {  	_ =	swait.ge [sflag:s19], $0x640  }
0x271: {  	[sflag:s19] =	ssyncset.done $0x0  }
0x272: {  	[sflag:s19] =	ssyncadd.s32 $0xFFFFF9C0  }
0x273: {  	_ =	swait.ge [sflag:s19], $0x640  }
0x274: {  	[sflag:s19] =	ssyncset.done $0x0  }
0x275: {  	[sflag:s19] =	ssyncadd.s32 $0xFFFFF9C0  }
0x276: {  	_ =	swait.ge [sflag:s19], $0x640  }
0x277: {  	[sflag:s19] =	ssyncset.done $0x0  }
0x278: {  	[sflag:s19] =	ssyncadd.s32 $0xFFFFF9C0  }
0x279: {  	_ =	swait.ge [sflag:s19], $0x640  }
0x27a: {  	[sflag:s19] =	ssyncset.done $0x0  }
0x27b: {  	[sflag:s19] =	ssyncadd.s32 $0xFFFFF9C0  }
0x27c: {  	_ =	swait.ge [sflag:s19], $0x640  }
0x27d: {  	[sflag:s19] =	ssyncset.done $0x0  }
0x27e: {  	[sflag:s19] =	ssyncadd.s32 $0xFFFFF9C0  }
0x27f: {  	_ =	swait.ge [sflag:s19], $0x640  }
0x280: {  	[sflag:s19] =	ssyncset.done $0x0  }
0x281: {  	[sflag:s19] =	ssyncadd.s32 $0xFFFFF9C0  }
0x282: {  	_ =	swait.ge [sflag:s19], $0x640  }
0x283: {  	[sflag:s19] =	ssyncset.done $0x0  }
0x284: {  	[sflag:s19] =	ssyncadd.s32 $0xFFFFF9C0  }
0x285: {  	_ =	swait.ge [sflag:s19], $0x640  }
0x286: {  	[sflag:s19] =	ssyncset.done $0x0  }
0x287: {  	[sflag:s19] =	ssyncadd.s32 $0xFFFFF9C0  }
0x288: {  	_ =	swait.ge [sflag:s19], $0x640  }
0x289: {  	[sflag:s19] =	ssyncset.done $0x0  }
0x28a: {  	[sflag:s19] =	ssyncadd.s32 $0xFFFFF9C0  }
0x28b: {  	_ =	swait.ge [sflag:s19], $0x640  }
0x28c: {  	[sflag:s19] =	ssyncset.done $0x0  }
0x28d: {  	[sflag:s19] =	ssyncadd.s32 $0xFFFFF9C0  }
0x28e: {  	_ =	swait.ge [sflag:s19], $0x640  }
0x28f: {  	[sflag:s19] =	ssyncset.done $0x0  }
0x290: {  	[sflag:s19] =	ssyncadd.s32 $0xFFFFF9C0  }
0x291: {  	_ =	swait.ge [sflag:s19], $0x640  }
0x292: {  	[sflag:s19] =	ssyncset.done $0x0  }
0x293: {  	s23 =	sadd.s32 $0x1, s23;
	[sflag:s19] =	ssyncadd.s32 $0xFFFFF9C0  }
0x294: {  	p0 =	sne.s32 s23, s15;
	_ =	swait.ge [sflag:s19], $0x640  }
.Ltmp9:
0x295: {  	[sflag:s19] =	ssyncset.done $0x0;
	(pc) =	sbr.rel @p0 .LBB2_1-.Ltmp9, $4  }
0x296: {  	[sflag:s19] =	ssyncadd.s32 $0xFFFFF9C0  }
0x297: {  	_ =	swait.ge [sflag:s19], $0x640  }
0x298: {  	[sflag:s19] =	ssyncset.done $0x0  }
0x299: {  	[sflag:s19] =	ssyncadd.s32 $0xFFFFF9C0  }
0x29a: {  	_ =	sfence.sel $0x180000  }
0x29b: {  	[bflag:$0x0] =	sbarrier.arrive $0xFFFF  }
0x29c: {  	_ =	strace $0x90000047  }
0x29d: {  	s0 =	stileid.u32;
	[bflag:$0x2] =	sbarrier.arrive $0xFFFF  }
0x29e: {  	p0 =	sne.s32 s0, $0x0;
	s0 =	rddreg [dreg:$0xb]  }
0x29f: {  	s0 =	sadd.s32 @!p0 $0x100000, s0  }
0x2a0: {  	[sflag:s0] =	ssyncadd.tile.s32 @!p0 $0x1;
	_ =	shalt  }
.Lfunc_end2:
_tile_overlayer_lowered:
.L_overlay_start_2:
0x2a1: {  	(tag) =	ssettag $0x2  }
0x2a2: {  	s0 =	rddreg [dreg:$0x0];
	s2 =	stileid.u32  }
0x2a3: {  	s1 =	rddreg [dreg:$0x1];
	p0 =	sne.s32 s2, $0x0  }
0x2a4: {  	s3 =	rddreg [dreg:$0x2];
	[bflag:$0x3] =	sbarrier.arrive $0xFFFF;
	s2 =	simm.s32 @!p0 $0x1C02  }
0x2a5: {  	[timem:s3], [sflag:s2] =	dma.local @!p0 [hbm:s0], s1  }
0x2a6: {  	s0 =	simm.s32 @!p0 $0x2  }
0x2a7: {  	_ =	swait.ge @!p0 [sflag:s0], s1  }
0x2a8: {  	s1 =	ssub.s32 @!p0 $0x0, s1;
	[sflag:s0] =	ssyncset.done @!p0 $0x0  }
0x2a9: {  	[sflag:s0] =	ssyncadd.s32 @!p0 s1  }
0x2aa: {  	[bflag:$0x3] =	sbarrier.arrive $0xFFFF  }
0x2ab: {  	_ =	shalt  }

</sc_bundles>
